<compile_context>
chip_gen: v7x
topology: tpu7x:2x2x1
jax: 0.10.2.dev20260603
libtpu: 0.0.44.dev20260713+nightly
codegen_flags: <defaults>
</compile_context>

<pallas_src>
import functools

import jax
import jax.numpy as jnp
from jax import lax
from jax.experimental import pallas as pl
from jax.experimental.pallas import tpu as pltpu
from jax.experimental.pallas import tpu_sc as plsc

T = 2048
D = 1024
E = 8
I = 512
TB = 256
TB_SHIFT = 8
P_PAD = 2 * T + E * TB
NB = P_PAD // TB
SCALE = 2.5
NC, NS = 2, 16
NW = NC * NS
ROWS_W = P_PAD // NW
GCH = ROWS_W // 4
TOK_W = T // NW


def _shift_down(a, s):
    return jnp.concatenate([jnp.zeros((s, a.shape[1]), a.dtype), a[:-s]], 0)


def _shift_right(a, s):
    return jnp.concatenate([jnp.zeros((a.shape[0], s), a.dtype), a[:, :-s]], 1)


def _k1_body(x_ref, gw_ref, bias_ref,
             pos0_ref, pos1_ref, w0_ref, w1_ref, be_ref, bv_ref):
    x = x_ref[...]
    logits = lax.dot_general(x.astype(jnp.bfloat16),
                             gw_ref[...].astype(jnp.bfloat16),
                             (((1,), (1,)), ((), ())),
                             preferred_element_type=jnp.float32)
    scores = jax.nn.sigmoid(logits)
    s_choice = scores + bias_ref[...]
    col = lax.broadcasted_iota(jnp.int32, (T, E), 1)
    m1 = jnp.max(s_choice, 1, keepdims=True)
    i1 = jnp.min(jnp.where(s_choice >= m1, col, E), 1, keepdims=True)
    sel1 = col == i1
    s_excl = jnp.where(sel1, -1e30, s_choice)
    m2 = jnp.max(s_excl, 1, keepdims=True)
    i2 = jnp.min(jnp.where(s_excl >= m2, col, E), 1, keepdims=True)
    sel2 = col == i2
    wsum = jnp.sum(jnp.where(sel1 | sel2, scores, 0.0), 1, keepdims=True)
    w0 = jnp.sum(jnp.where(sel1, scores, 0.0), 1, keepdims=True) * (SCALE / wsum)
    w1 = jnp.sum(jnp.where(sel2, scores, 0.0), 1, keepdims=True) * (SCALE / wsum)
    w0_ref[...] = jnp.broadcast_to(w0, (T, 128))
    w1_ref[...] = jnp.broadcast_to(w1, (T, 128))

    f1 = sel1.astype(jnp.float32)
    f2 = sel2.astype(jnp.float32)
    c1, c2, s = f1, f2, 1
    while s < T:
        c1 = c1 + _shift_down(c1, s)
        c2 = c2 + _shift_down(c2, s)
        s *= 2
    tot0 = c1[T - 1:T, :]
    tot1 = c2[T - 1:T, :]
    C0 = c1 - f1
    C1 = c2 - f2
    counts = (tot0 + tot1).astype(jnp.int32)
    pc = ((counts + TB - 1) >> TB_SHIFT) << TB_SHIFT
    ic, s = pc, 1
    while s < E:
        ic = ic + _shift_right(ic, s)
        s *= 2
    po = ic - pc
    po_f = po.astype(jnp.float32)
    pos0 = jnp.sum(f1 * (po_f + C0), 1, keepdims=True)
    pos1 = jnp.sum(f2 * (po_f + tot0 + C1), 1, keepdims=True)
    pos0_ref[...] = pos0.astype(jnp.int32)
    pos1_ref[...] = pos1.astype(jnp.int32)

    brow = lax.broadcasted_iota(jnp.int32, (NB, E), 0) * TB
    colb = lax.broadcasted_iota(jnp.int32, (NB, E), 1)
    ind = (po <= brow) & (brow < po + pc)
    bv = jnp.sum(ind.astype(jnp.int32), 1, keepdims=True)
    be_ref[...] = jnp.sum(jnp.where(ind, colb, 0), 1, keepdims=True) + 7 * (1 - bv)
    bv_ref[...] = bv


def _router_dispatch(x, gate_w, bias):
    return pl.pallas_call(
        _k1_body,
        in_specs=[pl.BlockSpec((T, D), lambda: (0, 0)),
                  pl.BlockSpec((E, D), lambda: (0, 0)),
                  pl.BlockSpec((1, E), lambda: (0, 0))],
        out_specs=[pl.BlockSpec((T, 1), lambda: (0, 0)),
                   pl.BlockSpec((T, 1), lambda: (0, 0)),
                   pl.BlockSpec((T, 128), lambda: (0, 0)),
                   pl.BlockSpec((T, 128), lambda: (0, 0)),
                   pl.BlockSpec((NB, 1), lambda: (0, 0)),
                   pl.BlockSpec((NB, 1), lambda: (0, 0))],
        out_shape=[jax.ShapeDtypeStruct((T, 1), jnp.int32),
                   jax.ShapeDtypeStruct((T, 1), jnp.int32),
                   jax.ShapeDtypeStruct((T, 128), jnp.float32),
                   jax.ShapeDtypeStruct((T, 128), jnp.float32),
                   jax.ShapeDtypeStruct((NB, 1), jnp.int32),
                   jax.ShapeDtypeStruct((NB, 1), jnp.int32)],
    )(x, gate_w, bias)


@functools.cache
def _sc_mesh():
    return plsc.VectorSubcoreMesh(core_axis_name="c", subcore_axis_name="s",
                                  num_cores=NC, num_subcores=NS)


@functools.cache
def _k3_kernel():
    return pl.kernel(
        _k3_body,
        out_type=[jax.ShapeDtypeStruct((P_PAD, D), jnp.float32),
                  jax.ShapeDtypeStruct((P_PAD, 128), jnp.float32)],
        mesh=_sc_mesh(),
        scratch_types=[
            pltpu.VMEM((TOK_W,), jnp.int32),
            pltpu.VMEM((TOK_W,), jnp.int32),
            pltpu.VMEM((TOK_W, D), jnp.float32),
            pltpu.VMEM((TOK_W, 128), jnp.float32),
            pltpu.VMEM((TOK_W, 128), jnp.float32),
            pltpu.SemaphoreType.DMA,
            pltpu.SemaphoreType.DMA,
            pltpu.SemaphoreType.DMA,
            pltpu.SemaphoreType.DMA,
        ],
        compiler_params=pltpu.CompilerParams(needs_layout_passes=False),
    )


def _k3_body(pos0_hbm, pos1_hbm, w0_hbm, w1_hbm, x_hbm,
             xs_hbm, ws_hbm,
             idx0_v, idx1_v, xrows_v, wr0_v, wr1_v,
             sem0, sem1, sem2, sem3):
    wid = lax.axis_index("c") * NS + lax.axis_index("s")
    tbase = wid * TOK_W
    pltpu.sync_copy(pos0_hbm.at[pl.ds(tbase, TOK_W)], idx0_v)
    pltpu.sync_copy(pos1_hbm.at[pl.ds(tbase, TOK_W)], idx1_v)
    pltpu.sync_copy(x_hbm.at[pl.ds(tbase, TOK_W)], xrows_v)
    pltpu.sync_copy(w0_hbm.at[pl.ds(tbase, TOK_W)], wr0_v)
    pltpu.sync_copy(w1_hbm.at[pl.ds(tbase, TOK_W)], wr1_v)
    d0 = pltpu.async_copy(xrows_v, xs_hbm.at[idx0_v], sem0)
    d1 = pltpu.async_copy(xrows_v, xs_hbm.at[idx1_v], sem1)
    d2 = pltpu.async_copy(wr0_v, ws_hbm.at[idx0_v], sem2)
    d3 = pltpu.async_copy(wr1_v, ws_hbm.at[idx1_v], sem3)
    d0.wait()
    d1.wait()
    d2.wait()
    d3.wait()


@functools.cache
def _k5_kernel():
    return pl.kernel(
        _k5_body,
        out_type=[jax.ShapeDtypeStruct((T, D), jnp.float32),
                  jax.ShapeDtypeStruct((T, D), jnp.float32)],
        mesh=_sc_mesh(),
        scratch_types=[
            pltpu.VMEM((TOK_W,), jnp.int32),
            pltpu.VMEM((TOK_W,), jnp.int32),
            pltpu.VMEM((TOK_W // 2, D), jnp.float32),
            pltpu.VMEM((TOK_W // 2, D), jnp.float32),
            pltpu.SemaphoreType.DMA,
            pltpu.SemaphoreType.DMA,
        ],
        compiler_params=pltpu.CompilerParams(needs_layout_passes=False),
    )


def _k5_body(pos0_hbm, pos1_hbm, ys_hbm, y0_hbm, y1_hbm,
             idx0_v, idx1_v, rows0, rows1, sem0, sem1):
    wid = lax.axis_index("c") * NS + lax.axis_index("s")
    base = wid * TOK_W
    half = TOK_W // 2
    pltpu.sync_copy(pos0_hbm.at[pl.ds(base, TOK_W)], idx0_v)
    pltpu.sync_copy(pos1_hbm.at[pl.ds(base, TOK_W)], idx1_v)
    plan = ((idx0_v, 0, y0_hbm), (idx0_v, half, y0_hbm),
            (idx1_v, 0, y1_hbm), (idx1_v, half, y1_hbm))
    bufs = (rows0, rows1)
    sems = (sem0, sem1)
    descs = [None, None]
    outs = [None, None]
    for i, (idx, off, out_hbm) in enumerate(plan):
        b = i % 2
        if descs[b] is not None:
            descs[b].wait()
            pltpu.sync_copy(bufs[b], outs[b])
        descs[b] = pltpu.async_copy(
            ys_hbm.at[idx.at[pl.ds(off, half)]], bufs[b], sems[b])
        outs[b] = out_hbm.at[pl.ds(base + off, half)]
    for b in (0, 1):
        descs[b].wait()
        pltpu.sync_copy(bufs[b], outs[b])


def _bf16_mlp(x_bf, wg, wu, wd):
    g = lax.dot_general(x_bf, wg.astype(jnp.bfloat16),
                        (((1,), (1,)), ((), ())),
                        preferred_element_type=jnp.float32)
    u = lax.dot_general(x_bf, wu.astype(jnp.bfloat16),
                        (((1,), (1,)), ((), ())),
                        preferred_element_type=jnp.float32)
    h = (g * jax.nn.sigmoid(g) * u).astype(jnp.bfloat16)
    return lax.dot_general(h, wd.astype(jnp.bfloat16),
                           (((1,), (1,)), ((), ())),
                           preferred_element_type=jnp.float32)


def _k4_body(be_ref, bv_ref, x_ref, wg_ref, wu_ref, wd_ref, w_ref, y_ref):
    @pl.when(bv_ref[pl.program_id(0)] > 0)
    def _():
        y = _bf16_mlp(x_ref[...].astype(jnp.bfloat16),
                      wg_ref[0], wu_ref[0], wd_ref[0])
        y_ref[...] = y * w_ref[0][:, 0:1]


def _expert_blocks(x_sorted, w_gate, w_up, w_down, w_sorted3d,
                   block_expert, block_valid):
    grid_spec = pltpu.PrefetchScalarGridSpec(
        num_scalar_prefetch=2,
        grid=(NB,),
        in_specs=[
            pl.BlockSpec((TB, D), lambda b, be, bv: (b, 0)),
            pl.BlockSpec((1, I, D), lambda b, be, bv: (be[b], 0, 0)),
            pl.BlockSpec((1, I, D), lambda b, be, bv: (be[b], 0, 0)),
            pl.BlockSpec((1, D, I), lambda b, be, bv: (be[b], 0, 0)),
            pl.BlockSpec((1, TB, 128), lambda b, be, bv: (b, 0, 0)),
        ],
        out_specs=pl.BlockSpec((TB, D), lambda b, be, bv: (b, 0)),
    )
    return pl.pallas_call(
        _k4_body,
        grid_spec=grid_spec,
        out_shape=jax.ShapeDtypeStruct((P_PAD, D), jnp.float32),
    )(block_expert, block_valid, x_sorted, w_gate, w_up, w_down, w_sorted3d)


TT6 = 512


def _k6a_body(x_ref, sg_ref, su_ref, sd_ref, out_ref):
    out_ref[...] = _bf16_mlp(x_ref[...].astype(jnp.bfloat16),
                             sg_ref[...], su_ref[...], sd_ref[...])


def _shared_mlp(x, sg, su, sd):
    return pl.pallas_call(
        _k6a_body,
        grid=(T // TT6,),
        in_specs=[pl.BlockSpec((TT6, D), lambda t: (t, 0)),
                  pl.BlockSpec((I, D), lambda t: (0, 0)),
                  pl.BlockSpec((I, D), lambda t: (0, 0)),
                  pl.BlockSpec((D, I), lambda t: (0, 0))],
        out_specs=pl.BlockSpec((TT6, D), lambda t: (t, 0)),
        out_shape=jax.ShapeDtypeStruct((T, D), jnp.float32),
    )(x, sg, su, sd)


def _k7_body(s_ref, y0_ref, y1_ref, out_ref):
    out_ref[...] = s_ref[...] + y0_ref[...] + y1_ref[...]


def _final_add(shared_out, y0, y1):
    return pl.pallas_call(
        _k7_body,
        grid=(T // TT6,),
        in_specs=[pl.BlockSpec((TT6, D), lambda t: (t, 0)),
                  pl.BlockSpec((TT6, D), lambda t: (t, 0)),
                  pl.BlockSpec((TT6, D), lambda t: (t, 0))],
        out_specs=pl.BlockSpec((TT6, D), lambda t: (t, 0)),
        out_shape=jax.ShapeDtypeStruct((T, D), jnp.float32),
    )(shared_out, y0, y1)


@jax.jit
def kernel(hidden_states, gate_w, w_gate, w_up, w_down,
           shared_gate_w, shared_up_w, shared_down_w, correction_bias):
    bias = correction_bias.reshape(1, E).astype(jnp.float32)
    pos0, pos1, w0, w1, be, bv = _router_dispatch(hidden_states, gate_w, bias)
    pos0f = pos0.reshape(T)
    pos1f = pos1.reshape(T)
    x_sorted, w_sorted = _k3_kernel()(
        pos0f, pos1f, w0, w1, hidden_states)
    y_sorted = _expert_blocks(x_sorted, w_gate, w_up, w_down,
                              w_sorted.reshape(NB, TB, 128),
                              be.reshape(NB), bv.reshape(NB))
    shared_out = _shared_mlp(hidden_states, shared_gate_w, shared_up_w,
                             shared_down_w)
    y0, y1 = _k5_kernel()(pos0f, pos1f, y_sorted)
    return _final_add(shared_out, y0, y1)

# --- scband reference (transcript-rebuilt; emitter-appended) ---
"""Pipeline reference for scband-sarvam-mo-esparse-moe-block-3341484557058 (READ-ONLY COPY).

The authoritative reference and input builder live on the scoring server;
editing this copy changes nothing except your own understanding.
"""

import jax, jax.numpy as jnp
import numpy as np

T = 2048
D = 1024
E = 8
K = 2
I = 512
IS = 512  # moe_intermediate_size * num_shared_experts
ROUTED_SCALING = 2.5


def setup_inputs(seed: int = 0) -> dict:
    key = jax.random.key(seed)
    ks = jax.random.split(key, 9)
    return {
        "hidden_states": jax.random.normal(ks[0], (T, D), dtype=jnp.float32),
        "gate_w": jax.random.normal(ks[1], (E, D), dtype=jnp.float32) * 0.02,
        "w_gate": jax.random.normal(ks[2], (E, I, D), dtype=jnp.float32) * 0.02,
        "w_up": jax.random.normal(ks[3], (E, I, D), dtype=jnp.float32) * 0.02,
        "w_down": jax.random.normal(ks[4], (E, D, I), dtype=jnp.float32) * 0.02,
        "shared_gate_w": jax.random.normal(ks[5], (IS, D), dtype=jnp.float32) * 0.02,
        "shared_up_w": jax.random.normal(ks[6], (IS, D), dtype=jnp.float32) * 0.02,
        "shared_down_w": jax.random.normal(ks[7], (D, IS), dtype=jnp.float32) * 0.02,
        "correction_bias": jnp.zeros((E,), dtype=jnp.float32),
    }


def reference(hidden_states, gate_w, w_gate, w_up, w_down,
              shared_gate_w, shared_up_w, shared_down_w, correction_bias):
    # Router (router_dtype=fp32): logits = x @ gate.T
    router_logits = hidden_states.astype(jnp.float32) @ gate_w.T  # [T, E]
    # score_function = sigmoid, with e_score_correction_bias for expert choice
    scores = jax.nn.sigmoid(router_logits)  # [T, E]
    scores_for_choice = scores + correction_bias[None, :]
    _, topk_ids = jax.lax.top_k(scores_for_choice, K)  # [T, K]
    # weights taken from original (un-biased) scores, then renormalized
    topk_w = jnp.take_along_axis(scores, topk_ids, axis=1)  # [T, K]
    topk_w = topk_w / jnp.sum(topk_w, axis=1, keepdims=True)

    # Routed experts (SiluAndMul MLP per expert, weighted combine)
    routed = jnp.zeros_like(hidden_states)
    for e in range(E):
        g = hidden_states @ w_gate[e].T  # [T, I]
        u = hidden_states @ w_up[e].T    # [T, I]
        y = (jax.nn.silu(g) * u) @ w_down[e].T  # [T, D]
        w_tok = jnp.sum(jnp.where(topk_ids == e, topk_w, 0.0), axis=1)  # [T]
        routed = routed + y * w_tok[:, None]

    # Shared expert MLP on identity
    sg = hidden_states @ shared_gate_w.T
    su = hidden_states @ shared_up_w.T
    shared_out = (jax.nn.silu(sg) * su) @ shared_down_w.T  # [T, D]

    # shared_out += routed * routed_scaling_factor
    final = shared_out + routed * ROUTED_SCALING
    return final

if __name__ == "__main__":
    import jax
    _d = setup_inputs()
    print(jax.jit(kernel)(*tuple(_d.values())))

</pallas_src>

<mosaic_0001>
#map = affine_map<(d0, d1) -> (0)>
#map1 = affine_map<(d0, d1) -> (0, 0)>
module attributes {stable_mosaic.version = 14 : i64} {
  func.func @_k3_body(%arg0: i32, %arg1: i32, %arg2: memref<2048xi32, #tpu.memory_space<hbm>>, %arg3: memref<2048xi32, #tpu.memory_space<hbm>>, %arg4: memref<2048x128xf32, #tpu.memory_space<hbm>>, %arg5: memref<2048x128xf32, #tpu.memory_space<hbm>>, %arg6: memref<2048x1024xf32, #tpu.memory_space<hbm>>, %arg7: memref<6144x1024xf32, #tpu.memory_space<hbm>>, %arg8: memref<6144x128xf32, #tpu.memory_space<hbm>>, %arg9: memref<64xi32, #tpu.memory_space<vmem>>, %arg10: memref<64xi32, #tpu.memory_space<vmem>>, %arg11: memref<64x1024xf32, #tpu.memory_space<vmem>>, %arg12: memref<64x128xf32, #tpu.memory_space<vmem>>, %arg13: memref<64x128xf32, #tpu.memory_space<vmem>>, %arg14: memref<!tpu.dma_semaphore, #tpu.memory_space<semaphore_mem>>, %arg15: memref<!tpu.dma_semaphore, #tpu.memory_space<semaphore_mem>>, %arg16: memref<!tpu.dma_semaphore, #tpu.memory_space<semaphore_mem>>, %arg17: memref<!tpu.dma_semaphore, #tpu.memory_space<semaphore_mem>>) attributes {dimension_semantics = [#tpu.dimension_semantics<core_parallel>, #tpu.dimension_semantics<subcore_parallel>], iteration_bounds = array<i64: 2, 16>, scalar_prefetch = 0 : i64, scratch_operands = 9 : i64, tpu.core_type = #tpu.core_type<sc_vector_subcore>, window_params = [{transform_indices = #map}, {transform_indices = #map}, {transform_indices = #map1}, {transform_indices = #map1}, {transform_indices = #map1}, {transform_indices = #map1}, {transform_indices = #map1}]} {
    %mul3A = arith.constant 16 : i32
    %mul3A_0 = arith.muli %arg0, %mul3A : i32
    %add3A = arith.addi %mul3A_0, %arg1 : i32
    %mul3A_1 = arith.constant 64 : i32
    %mul3A_2 = arith.muli %add3A, %mul3A_1 : i32
    "tpu.region"() ({
      %run_scoped3A = tpu.sem_alloc : memref<!tpu.dma_semaphore, #tpu.memory_space<semaphore_mem>>
      %dma_start3A_25 = tpu.memref_slice %arg2[%mul3A_2] : memref<2048xi32, #tpu.memory_space<hbm>> -> memref<64xi32, #tpu.memory_space<hbm>>
      %dma_start3A_26 = tpu.memref_slice %arg2[%mul3A_2] : memref<2048xi32, #tpu.memory_space<hbm>> -> memref<64xi32, #tpu.memory_space<hbm>>
      tpu.enqueue_dma source(%dma_start3A_26 : memref<64xi32, #tpu.memory_space<hbm>>) target(%arg9 : memref<64xi32, #tpu.memory_space<vmem>>) target_semaphore(%run_scoped3A : memref<!tpu.dma_semaphore, #tpu.memory_space<semaphore_mem>>)
      %dma_wait3A_27 = tpu.memref_slice %arg2[%mul3A_2] : memref<2048xi32, #tpu.memory_space<hbm>> -> memref<64xi32, #tpu.memory_space<hbm>>
      %dma_wait3A_28 = tpu.memref_slice %arg2[%mul3A_2] : memref<2048xi32, #tpu.memory_space<hbm>> -> memref<64xi32, #tpu.memory_space<hbm>>
      tpu.wait_dma2 semaphore(%run_scoped3A : memref<!tpu.dma_semaphore, #tpu.memory_space<semaphore_mem>>) src(%dma_wait3A_28 : memref<64xi32, #tpu.memory_space<hbm>>) dst(%arg9 : memref<64xi32, #tpu.memory_space<vmem>>)
      tpu.yield
    }) : () -> ()
    "tpu.region"() ({
      %run_scoped3A = tpu.sem_alloc : memref<!tpu.dma_semaphore, #tpu.memory_space<semaphore_mem>>
      %dma_start3A_25 = tpu.memref_slice %arg3[%mul3A_2] : memref<2048xi32, #tpu.memory_space<hbm>> -> memref<64xi32, #tpu.memory_space<hbm>>
      %dma_start3A_26 = tpu.memref_slice %arg3[%mul3A_2] : memref<2048xi32, #tpu.memory_space<hbm>> -> memref<64xi32, #tpu.memory_space<hbm>>
      tpu.enqueue_dma source(%dma_start3A_26 : memref<64xi32, #tpu.memory_space<hbm>>) target(%arg10 : memref<64xi32, #tpu.memory_space<vmem>>) target_semaphore(%run_scoped3A : memref<!tpu.dma_semaphore, #tpu.memory_space<semaphore_mem>>)
      %dma_wait3A_27 = tpu.memref_slice %arg3[%mul3A_2] : memref<2048xi32, #tpu.memory_space<hbm>> -> memref<64xi32, #tpu.memory_space<hbm>>
      %dma_wait3A_28 = tpu.memref_slice %arg3[%mul3A_2] : memref<2048xi32, #tpu.memory_space<hbm>> -> memref<64xi32, #tpu.memory_space<hbm>>
      tpu.wait_dma2 semaphore(%run_scoped3A : memref<!tpu.dma_semaphore, #tpu.memory_space<semaphore_mem>>) src(%dma_wait3A_28 : memref<64xi32, #tpu.memory_space<hbm>>) dst(%arg10 : memref<64xi32, #tpu.memory_space<vmem>>)
      tpu.yield
    }) : () -> ()
    "tpu.region"() ({
      %run_scoped3A = tpu.sem_alloc : memref<!tpu.dma_semaphore, #tpu.memory_space<semaphore_mem>>
      %dma_start3A_25 = arith.constant 0 : i32
      %dma_start3A_26 = tpu.memref_slice %arg6[%mul3A_2, %dma_start3A_25] : memref<2048x1024xf32, #tpu.memory_space<hbm>> -> memref<64x1024xf32, #tpu.memory_space<hbm>>
      %dma_start3A_27 = arith.constant 0 : i32
      %dma_start3A_28 = tpu.memref_slice %arg6[%mul3A_2, %dma_start3A_27] : memref<2048x1024xf32, #tpu.memory_space<hbm>> -> memref<64x1024xf32, #tpu.memory_space<hbm>>
      tpu.enqueue_dma source(%dma_start3A_28 : memref<64x1024xf32, #tpu.memory_space<hbm>>) target(%arg11 : memref<64x1024xf32, #tpu.memory_space<vmem>>) target_semaphore(%run_scoped3A : memref<!tpu.dma_semaphore, #tpu.memory_space<semaphore_mem>>)
      %dma_wait3A_29 = arith.constant 0 : i32
      %dma_wait3A_30 = tpu.memref_slice %arg6[%mul3A_2, %dma_wait3A_29] : memref<2048x1024xf32, #tpu.memory_space<hbm>> -> memref<64x1024xf32, #tpu.memory_space<hbm>>
      %dma_wait3A_31 = arith.constant 0 : i32
      %dma_wait3A_32 = tpu.memref_slice %arg6[%mul3A_2, %dma_wait3A_31] : memref<2048x1024xf32, #tpu.memory_space<hbm>> -> memref<64x1024xf32, #tpu.memory_space<hbm>>
      tpu.wait_dma2 semaphore(%run_scoped3A : memref<!tpu.dma_semaphore, #tpu.memory_space<semaphore_mem>>) src(%dma_wait3A_32 : memref<64x1024xf32, #tpu.memory_space<hbm>>) dst(%arg11 : memref<64x1024xf32, #tpu.memory_space<vmem>>)
      tpu.yield
    }) : () -> ()
    "tpu.region"() ({
      %run_scoped3A = tpu.sem_alloc : memref<!tpu.dma_semaphore, #tpu.memory_space<semaphore_mem>>
      %dma_start3A_25 = arith.constant 0 : i32
      %dma_start3A_26 = tpu.memref_slice %arg4[%mul3A_2, %dma_start3A_25] : memref<2048x128xf32, #tpu.memory_space<hbm>> -> memref<64x128xf32, #tpu.memory_space<hbm>>
      %dma_start3A_27 = arith.constant 0 : i32
      %dma_start3A_28 = tpu.memref_slice %arg4[%mul3A_2, %dma_start3A_27] : memref<2048x128xf32, #tpu.memory_space<hbm>> -> memref<64x128xf32, #tpu.memory_space<hbm>>
      tpu.enqueue_dma source(%dma_start3A_28 : memref<64x128xf32, #tpu.memory_space<hbm>>) target(%arg12 : memref<64x128xf32, #tpu.memory_space<vmem>>) target_semaphore(%run_scoped3A : memref<!tpu.dma_semaphore, #tpu.memory_space<semaphore_mem>>)
      %dma_wait3A_29 = arith.constant 0 : i32
      %dma_wait3A_30 = tpu.memref_slice %arg4[%mul3A_2, %dma_wait3A_29] : memref<2048x128xf32, #tpu.memory_space<hbm>> -> memref<64x128xf32, #tpu.memory_space<hbm>>
      %dma_wait3A_31 = arith.constant 0 : i32
      %dma_wait3A_32 = tpu.memref_slice %arg4[%mul3A_2, %dma_wait3A_31] : memref<2048x128xf32, #tpu.memory_space<hbm>> -> memref<64x128xf32, #tpu.memory_space<hbm>>
      tpu.wait_dma2 semaphore(%run_scoped3A : memref<!tpu.dma_semaphore, #tpu.memory_space<semaphore_mem>>) src(%dma_wait3A_32 : memref<64x128xf32, #tpu.memory_space<hbm>>) dst(%arg12 : memref<64x128xf32, #tpu.memory_space<vmem>>)
      tpu.yield
    }) : () -> ()
    "tpu.region"() ({
      %run_scoped3A = tpu.sem_alloc : memref<!tpu.dma_semaphore, #tpu.memory_space<semaphore_mem>>
      %dma_start3A_25 = arith.constant 0 : i32
      %dma_start3A_26 = tpu.memref_slice %arg5[%mul3A_2, %dma_start3A_25] : memref<2048x128xf32, #tpu.memory_space<hbm>> -> memref<64x128xf32, #tpu.memory_space<hbm>>
      %dma_start3A_27 = arith.constant 0 : i32
      %dma_start3A_28 = tpu.memref_slice %arg5[%mul3A_2, %dma_start3A_27] : memref<2048x128xf32, #tpu.memory_space<hbm>> -> memref<64x128xf32, #tpu.memory_space<hbm>>
      tpu.enqueue_dma source(%dma_start3A_28 : memref<64x128xf32, #tpu.memory_space<hbm>>) target(%arg13 : memref<64x128xf32, #tpu.memory_space<vmem>>) target_semaphore(%run_scoped3A : memref<!tpu.dma_semaphore, #tpu.memory_space<semaphore_mem>>)
      %dma_wait3A_29 = arith.constant 0 : i32
      %dma_wait3A_30 = tpu.memref_slice %arg5[%mul3A_2, %dma_wait3A_29] : memref<2048x128xf32, #tpu.memory_space<hbm>> -> memref<64x128xf32, #tpu.memory_space<hbm>>
      %dma_wait3A_31 = arith.constant 0 : i32
      %dma_wait3A_32 = tpu.memref_slice %arg5[%mul3A_2, %dma_wait3A_31] : memref<2048x128xf32, #tpu.memory_space<hbm>> -> memref<64x128xf32, #tpu.memory_space<hbm>>
      tpu.wait_dma2 semaphore(%run_scoped3A : memref<!tpu.dma_semaphore, #tpu.memory_space<semaphore_mem>>) src(%dma_wait3A_32 : memref<64x128xf32, #tpu.memory_space<hbm>>) dst(%arg13 : memref<64x128xf32, #tpu.memory_space<vmem>>)
      tpu.yield
    }) : () -> ()
    %dma_start3A = arith.constant 0 : i32
    %dma_start3A_3 = arith.constant 0 : i32
    %dma_start3A_4 = tpu.memref_slice %arg7[%dma_start3A, %dma_start3A_3] : memref<6144x1024xf32, #tpu.memory_space<hbm>> -> memref<6144x1024xf32, #tpu.memory_space<hbm>>
    tpu.enqueue_indirect_dma source(%arg11 : memref<64x1024xf32, #tpu.memory_space<vmem>>) target(%dma_start3A_4 : memref<6144x1024xf32, #tpu.memory_space<hbm>>) offsets(%arg9 : memref<64xi32, #tpu.memory_space<vmem>>) semaphore(%arg14 : memref<!tpu.dma_semaphore, #tpu.memory_space<semaphore_mem>>)
    %dma_start3A_5 = arith.constant 0 : i32
    %dma_start3A_6 = arith.constant 0 : i32
    %dma_start3A_7 = tpu.memref_slice %arg7[%dma_start3A_5, %dma_start3A_6] : memref<6144x1024xf32, #tpu.memory_space<hbm>> -> memref<6144x1024xf32, #tpu.memory_space<hbm>>
    tpu.enqueue_indirect_dma source(%arg11 : memref<64x1024xf32, #tpu.memory_space<vmem>>) target(%dma_start3A_7 : memref<6144x1024xf32, #tpu.memory_space<hbm>>) offsets(%arg10 : memref<64xi32, #tpu.memory_space<vmem>>) semaphore(%arg15 : memref<!tpu.dma_semaphore, #tpu.memory_space<semaphore_mem>>)
    %dma_start3A_8 = arith.constant 0 : i32
    %dma_start3A_9 = arith.constant 0 : i32
    %dma_start3A_10 = tpu.memref_slice %arg8[%dma_start3A_8, %dma_start3A_9] : memref<6144x128xf32, #tpu.memory_space<hbm>> -> memref<6144x128xf32, #tpu.memory_space<hbm>>
    tpu.enqueue_indirect_dma source(%arg12 : memref<64x128xf32, #tpu.memory_space<vmem>>) target(%dma_start3A_10 : memref<6144x128xf32, #tpu.memory_space<hbm>>) offsets(%arg9 : memref<64xi32, #tpu.memory_space<vmem>>) semaphore(%arg16 : memref<!tpu.dma_semaphore, #tpu.memory_space<semaphore_mem>>)
    %dma_start3A_11 = arith.constant 0 : i32
    %dma_start3A_12 = arith.constant 0 : i32
    %dma_start3A_13 = tpu.memref_slice %arg8[%dma_start3A_11, %dma_start3A_12] : memref<6144x128xf32, #tpu.memory_space<hbm>> -> memref<6144x128xf32, #tpu.memory_space<hbm>>
    tpu.enqueue_indirect_dma source(%arg13 : memref<64x128xf32, #tpu.memory_space<vmem>>) target(%dma_start3A_13 : memref<6144x128xf32, #tpu.memory_space<hbm>>) offsets(%arg10 : memref<64xi32, #tpu.memory_space<vmem>>) semaphore(%arg17 : memref<!tpu.dma_semaphore, #tpu.memory_space<semaphore_mem>>)
    %dma_wait3A = arith.constant 0 : i32
    %dma_wait3A_14 = arith.constant 0 : i32
    %dma_wait3A_15 = tpu.memref_slice %arg7[%dma_wait3A, %dma_wait3A_14] : memref<6144x1024xf32, #tpu.memory_space<hbm>> -> memref<6144x1024xf32, #tpu.memory_space<hbm>>
    tpu.wait_indirect_dma semaphore(%arg14 : memref<!tpu.dma_semaphore, #tpu.memory_space<semaphore_mem>>) src(%arg11 : memref<64x1024xf32, #tpu.memory_space<vmem>>) dst(%dma_wait3A_15 : memref<6144x1024xf32, #tpu.memory_space<hbm>>)
    %dma_wait3A_16 = arith.constant 0 : i32
    %dma_wait3A_17 = arith.constant 0 : i32
    %dma_wait3A_18 = tpu.memref_slice %arg7[%dma_wait3A_16, %dma_wait3A_17] : memref<6144x1024xf32, #tpu.memory_space<hbm>> -> memref<6144x1024xf32, #tpu.memory_space<hbm>>
    tpu.wait_indirect_dma semaphore(%arg15 : memref<!tpu.dma_semaphore, #tpu.memory_space<semaphore_mem>>) src(%arg11 : memref<64x1024xf32, #tpu.memory_space<vmem>>) dst(%dma_wait3A_18 : memref<6144x1024xf32, #tpu.memory_space<hbm>>)
    %dma_wait3A_19 = arith.constant 0 : i32
    %dma_wait3A_20 = arith.constant 0 : i32
    %dma_wait3A_21 = tpu.memref_slice %arg8[%dma_wait3A_19, %dma_wait3A_20] : memref<6144x128xf32, #tpu.memory_space<hbm>> -> memref<6144x128xf32, #tpu.memory_space<hbm>>
    tpu.wait_indirect_dma semaphore(%arg16 : memref<!tpu.dma_semaphore, #tpu.memory_space<semaphore_mem>>) src(%arg12 : memref<64x128xf32, #tpu.memory_space<vmem>>) dst(%dma_wait3A_21 : memref<6144x128xf32, #tpu.memory_space<hbm>>)
    %dma_wait3A_22 = arith.constant 0 : i32
    %dma_wait3A_23 = arith.constant 0 : i32
    %dma_wait3A_24 = tpu.memref_slice %arg8[%dma_wait3A_22, %dma_wait3A_23] : memref<6144x128xf32, #tpu.memory_space<hbm>> -> memref<6144x128xf32, #tpu.memory_space<hbm>>
    tpu.wait_indirect_dma semaphore(%arg17 : memref<!tpu.dma_semaphore, #tpu.memory_space<semaphore_mem>>) src(%arg13 : memref<64x128xf32, #tpu.memory_space<vmem>>) dst(%dma_wait3A_24 : memref<6144x128xf32, #tpu.memory_space<hbm>>)
    return
  }
}

#map = affine_map<(d0, d1) -> (0)>
#map1 = affine_map<(d0, d1) -> (0, 0)>
module attributes {stable_mosaic.version = 14 : i64} {
  func.func @_k5_body(%arg0: i32, %arg1: i32, %arg2: memref<2048xi32, #tpu.memory_space<hbm>>, %arg3: memref<2048xi32, #tpu.memory_space<hbm>>, %arg4: memref<6144x1024xf32, #tpu.memory_space<hbm>>, %arg5: memref<2048x1024xf32, #tpu.memory_space<hbm>>, %arg6: memref<2048x1024xf32, #tpu.memory_space<hbm>>, %arg7: memref<64xi32, #tpu.memory_space<vmem>>, %arg8: memref<64xi32, #tpu.memory_space<vmem>>, %arg9: memref<32x1024xf32, #tpu.memory_space<vmem>>, %arg10: memref<32x1024xf32, #tpu.memory_space<vmem>>, %arg11: memref<!tpu.dma_semaphore, #tpu.memory_space<semaphore_mem>>, %arg12: memref<!tpu.dma_semaphore, #tpu.memory_space<semaphore_mem>>) attributes {dimension_semantics = [#tpu.dimension_semantics<core_parallel>, #tpu.dimension_semantics<subcore_parallel>], iteration_bounds = array<i64: 2, 16>, scalar_prefetch = 0 : i64, scratch_operands = 6 : i64, tpu.core_type = #tpu.core_type<sc_vector_subcore>, window_params = [{transform_indices = #map}, {transform_indices = #map}, {transform_indices = #map1}, {transform_indices = #map1}, {transform_indices = #map1}]} {
    %mul3A = arith.constant 16 : i32
    %mul3A_0 = arith.muli %arg0, %mul3A : i32
    %add3A = arith.addi %mul3A_0, %arg1 : i32
    %mul3A_1 = arith.constant 64 : i32
    %mul3A_2 = arith.muli %add3A, %mul3A_1 : i32
    "tpu.region"() ({
      %run_scoped3A = tpu.sem_alloc : memref<!tpu.dma_semaphore, #tpu.memory_space<semaphore_mem>>
      %dma_start3A_49 = tpu.memref_slice %arg2[%mul3A_2] : memref<2048xi32, #tpu.memory_space<hbm>> -> memref<64xi32, #tpu.memory_space<hbm>>
      %dma_start3A_50 = tpu.memref_slice %arg2[%mul3A_2] : memref<2048xi32, #tpu.memory_space<hbm>> -> memref<64xi32, #tpu.memory_space<hbm>>
      tpu.enqueue_dma source(%dma_start3A_50 : memref<64xi32, #tpu.memory_space<hbm>>) target(%arg7 : memref<64xi32, #tpu.memory_space<vmem>>) target_semaphore(%run_scoped3A : memref<!tpu.dma_semaphore, #tpu.memory_space<semaphore_mem>>)
      %dma_wait3A_51 = tpu.memref_slice %arg2[%mul3A_2] : memref<2048xi32, #tpu.memory_space<hbm>> -> memref<64xi32, #tpu.memory_space<hbm>>
      %dma_wait3A_52 = tpu.memref_slice %arg2[%mul3A_2] : memref<2048xi32, #tpu.memory_space<hbm>> -> memref<64xi32, #tpu.memory_space<hbm>>
      tpu.wait_dma2 semaphore(%run_scoped3A : memref<!tpu.dma_semaphore, #tpu.memory_space<semaphore_mem>>) src(%dma_wait3A_52 : memref<64xi32, #tpu.memory_space<hbm>>) dst(%arg7 : memref<64xi32, #tpu.memory_space<vmem>>)
      tpu.yield
    }) : () -> ()
    "tpu.region"() ({
      %run_scoped3A = tpu.sem_alloc : memref<!tpu.dma_semaphore, #tpu.memory_space<semaphore_mem>>
      %dma_start3A_49 = tpu.memref_slice %arg3[%mul3A_2] : memref<2048xi32, #tpu.memory_space<hbm>> -> memref<64xi32, #tpu.memory_space<hbm>>
      %dma_start3A_50 = tpu.memref_slice %arg3[%mul3A_2] : memref<2048xi32, #tpu.memory_space<hbm>> -> memref<64xi32, #tpu.memory_space<hbm>>
      tpu.enqueue_dma source(%dma_start3A_50 : memref<64xi32, #tpu.memory_space<hbm>>) target(%arg8 : memref<64xi32, #tpu.memory_space<vmem>>) target_semaphore(%run_scoped3A : memref<!tpu.dma_semaphore, #tpu.memory_space<semaphore_mem>>)
      %dma_wait3A_51 = tpu.memref_slice %arg3[%mul3A_2] : memref<2048xi32, #tpu.memory_space<hbm>> -> memref<64xi32, #tpu.memory_space<hbm>>
      %dma_wait3A_52 = tpu.memref_slice %arg3[%mul3A_2] : memref<2048xi32, #tpu.memory_space<hbm>> -> memref<64xi32, #tpu.memory_space<hbm>>
      tpu.wait_dma2 semaphore(%run_scoped3A : memref<!tpu.dma_semaphore, #tpu.memory_space<semaphore_mem>>) src(%dma_wait3A_52 : memref<64xi32, #tpu.memory_space<hbm>>) dst(%arg8 : memref<64xi32, #tpu.memory_space<vmem>>)
      tpu.yield
    }) : () -> ()
    %dma_start3A = arith.constant 0 : i32
    %dma_start3A_3 = tpu.memref_slice %arg7[%dma_start3A] : memref<64xi32, #tpu.memory_space<vmem>> -> memref<32xi32, #tpu.memory_space<vmem>>
    %dma_start3A_4 = arith.constant 0 : i32
    %dma_start3A_5 = arith.constant 0 : i32
    %dma_start3A_6 = tpu.memref_slice %arg4[%dma_start3A_4, %dma_start3A_5] : memref<6144x1024xf32, #tpu.memory_space<hbm>> -> memref<6144x1024xf32, #tpu.memory_space<hbm>>
    tpu.enqueue_indirect_dma source(%dma_start3A_6 : memref<6144x1024xf32, #tpu.memory_space<hbm>>) target(%arg9 : memref<32x1024xf32, #tpu.memory_space<vmem>>) offsets(%dma_start3A_3 : memref<32xi32, #tpu.memory_space<vmem>>) semaphore(%arg11 : memref<!tpu.dma_semaphore, #tpu.memory_space<semaphore_mem>>)
    %add3A_7 = arith.constant 0 : i32
    %add3A_8 = arith.addi %mul3A_2, %add3A_7 : i32
    %dma_start3A_9 = arith.constant 32 : i32
    %dma_start3A_10 = tpu.memref_slice %arg7[%dma_start3A_9] : memref<64xi32, #tpu.memory_space<vmem>> -> memref<32xi32, #tpu.memory_space<vmem>>
    %dma_start3A_11 = arith.constant 0 : i32
    %dma_start3A_12 = arith.constant 0 : i32
    %dma_start3A_13 = tpu.memref_slice %arg4[%dma_start3A_11, %dma_start3A_12] : memref<6144x1024xf32, #tpu.memory_space<hbm>> -> memref<6144x1024xf32, #tpu.memory_space<hbm>>
    tpu.enqueue_indirect_dma source(%dma_start3A_13 : memref<6144x1024xf32, #tpu.memory_space<hbm>>) target(%arg10 : memref<32x1024xf32, #tpu.memory_space<vmem>>) offsets(%dma_start3A_10 : memref<32xi32, #tpu.memory_space<vmem>>) semaphore(%arg12 : memref<!tpu.dma_semaphore, #tpu.memory_space<semaphore_mem>>)
    %add3A_14 = arith.constant 32 : i32
    %add3A_15 = arith.addi %mul3A_2, %add3A_14 : i32
    %dma_wait3A = arith.constant 0 : i32
    %dma_wait3A_16 = tpu.memref_slice %arg7[%dma_wait3A] : memref<64xi32, #tpu.memory_space<vmem>> -> memref<32xi32, #tpu.memory_space<vmem>>
    %dma_wait3A_17 = arith.constant 0 : i32
    %dma_wait3A_18 = arith.constant 0 : i32
    %dma_wait3A_19 = tpu.memref_slice %arg4[%dma_wait3A_17, %dma_wait3A_18] : memref<6144x1024xf32, #tpu.memory_space<hbm>> -> memref<6144x1024xf32, #tpu.memory_space<hbm>>
    tpu.wait_indirect_dma semaphore(%arg11 : memref<!tpu.dma_semaphore, #tpu.memory_space<semaphore_mem>>) src(%dma_wait3A_19 : memref<6144x1024xf32, #tpu.memory_space<hbm>>) dst(%arg9 : memref<32x1024xf32, #tpu.memory_space<vmem>>)
    "tpu.region"() ({
      %run_scoped3A = tpu.sem_alloc : memref<!tpu.dma_semaphore, #tpu.memory_space<semaphore_mem>>
      %dma_start3A_49 = arith.constant 0 : i32
      %dma_start3A_50 = tpu.memref_slice %arg5[%add3A_8, %dma_start3A_49] : memref<2048x1024xf32, #tpu.memory_space<hbm>> -> memref<32x1024xf32, #tpu.memory_space<hbm>>
      %dma_start3A_51 = arith.constant 0 : i32
      %dma_start3A_52 = tpu.memref_slice %arg5[%add3A_8, %dma_start3A_51] : memref<2048x1024xf32, #tpu.memory_space<hbm>> -> memref<32x1024xf32, #tpu.memory_space<hbm>>
      tpu.enqueue_dma source(%arg9 : memref<32x1024xf32, #tpu.memory_space<vmem>>) target(%dma_start3A_52 : memref<32x1024xf32, #tpu.memory_space<hbm>>) target_semaphore(%run_scoped3A : memref<!tpu.dma_semaphore, #tpu.memory_space<semaphore_mem>>)
      %dma_wait3A_53 = arith.constant 0 : i32
      %dma_wait3A_54 = tpu.memref_slice %arg5[%add3A_8, %dma_wait3A_53] : memref<2048x1024xf32, #tpu.memory_space<hbm>> -> memref<32x1024xf32, #tpu.memory_space<hbm>>
      %dma_wait3A_55 = arith.constant 0 : i32
      %dma_wait3A_56 = tpu.memref_slice %arg5[%add3A_8, %dma_wait3A_55] : memref<2048x1024xf32, #tpu.memory_space<hbm>> -> memref<32x1024xf32, #tpu.memory_space<hbm>>
      tpu.wait_dma2 semaphore(%run_scoped3A : memref<!tpu.dma_semaphore, #tpu.memory_space<semaphore_mem>>) src(%arg9 : memref<32x1024xf32, #tpu.memory_space<vmem>>) dst(%dma_wait3A_56 : memref<32x1024xf32, #tpu.memory_space<hbm>>)
      tpu.yield
    }) : () -> ()
    %dma_start3A_20 = arith.constant 0 : i32
    %dma_start3A_21 = tpu.memref_slice %arg8[%dma_start3A_20] : memref<64xi32, #tpu.memory_space<vmem>> -> memref<32xi32, #tpu.memory_space<vmem>>
    %dma_start3A_22 = arith.constant 0 : i32
    %dma_start3A_23 = arith.constant 0 : i32
    %dma_start3A_24 = tpu.memref_slice %arg4[%dma_start3A_22, %dma_start3A_23] : memref<6144x1024xf32, #tpu.memory_space<hbm>> -> memref<6144x1024xf32, #tpu.memory_space<hbm>>
    tpu.enqueue_indirect_dma source(%dma_start3A_24 : memref<6144x1024xf32, #tpu.memory_space<hbm>>) target(%arg9 : memref<32x1024xf32, #tpu.memory_space<vmem>>) offsets(%dma_start3A_21 : memref<32xi32, #tpu.memory_space<vmem>>) semaphore(%arg11 : memref<!tpu.dma_semaphore, #tpu.memory_space<semaphore_mem>>)
    %add3A_25 = arith.constant 0 : i32
    %add3A_26 = arith.addi %mul3A_2, %add3A_25 : i32
    %dma_wait3A_27 = arith.constant 32 : i32
    %dma_wait3A_28 = tpu.memref_slice %arg7[%dma_wait3A_27] : memref<64xi32, #tpu.memory_space<vmem>> -> memref<32xi32, #tpu.memory_space<vmem>>
    %dma_wait3A_29 = arith.constant 0 : i32
    %dma_wait3A_30 = arith.constant 0 : i32
    %dma_wait3A_31 = tpu.memref_slice %arg4[%dma_wait3A_29, %dma_wait3A_30] : memref<6144x1024xf32, #tpu.memory_space<hbm>> -> memref<6144x1024xf32, #tpu.memory_space<hbm>>
    tpu.wait_indirect_dma semaphore(%arg12 : memref<!tpu.dma_semaphore, #tpu.memory_space<semaphore_mem>>) src(%dma_wait3A_31 : memref<6144x1024xf32, #tpu.memory_space<hbm>>) dst(%arg10 : memref<32x1024xf32, #tpu.memory_space<vmem>>)
    "tpu.region"() ({
      %run_scoped3A = tpu.sem_alloc : memref<!tpu.dma_semaphore, #tpu.memory_space<semaphore_mem>>
      %dma_start3A_49 = arith.constant 0 : i32
      %dma_start3A_50 = tpu.memref_slice %arg5[%add3A_15, %dma_start3A_49] : memref<2048x1024xf32, #tpu.memory_space<hbm>> -> memref<32x1024xf32, #tpu.memory_space<hbm>>
      %dma_start3A_51 = arith.constant 0 : i32
      %dma_start3A_52 = tpu.memref_slice %arg5[%add3A_15, %dma_start3A_51] : memref<2048x1024xf32, #tpu.memory_space<hbm>> -> memref<32x1024xf32, #tpu.memory_space<hbm>>
      tpu.enqueue_dma source(%arg10 : memref<32x1024xf32, #tpu.memory_space<vmem>>) target(%dma_start3A_52 : memref<32x1024xf32, #tpu.memory_space<hbm>>) target_semaphore(%run_scoped3A : memref<!tpu.dma_semaphore, #tpu.memory_space<semaphore_mem>>)
      %dma_wait3A_53 = arith.constant 0 : i32
      %dma_wait3A_54 = tpu.memref_slice %arg5[%add3A_15, %dma_wait3A_53] : memref<2048x1024xf32, #tpu.memory_space<hbm>> -> memref<32x1024xf32, #tpu.memory_space<hbm>>
      %dma_wait3A_55 = arith.constant 0 : i32
      %dma_wait3A_56 = tpu.memref_slice %arg5[%add3A_15, %dma_wait3A_55] : memref<2048x1024xf32, #tpu.memory_space<hbm>> -> memref<32x1024xf32, #tpu.memory_space<hbm>>
      tpu.wait_dma2 semaphore(%run_scoped3A : memref<!tpu.dma_semaphore, #tpu.memory_space<semaphore_mem>>) src(%arg10 : memref<32x1024xf32, #tpu.memory_space<vmem>>) dst(%dma_wait3A_56 : memref<32x1024xf32, #tpu.memory_space<hbm>>)
      tpu.yield
    }) : () -> ()
    %dma_start3A_32 = arith.constant 32 : i32
    %dma_start3A_33 = tpu.memref_slice %arg8[%dma_start3A_32] : memref<64xi32, #tpu.memory_space<vmem>> -> memref<32xi32, #tpu.memory_space<vmem>>
    %dma_start3A_34 = arith.constant 0 : i32
    %dma_start3A_35 = arith.constant 0 : i32
    %dma_start3A_36 = tpu.memref_slice %arg4[%dma_start3A_34, %dma_start3A_35] : memref<6144x1024xf32, #tpu.memory_space<hbm>> -> memref<6144x1024xf32, #tpu.memory_space<hbm>>
    tpu.enqueue_indirect_dma source(%dma_start3A_36 : memref<6144x1024xf32, #tpu.memory_space<hbm>>) target(%arg10 : memref<32x1024xf32, #tpu.memory_space<vmem>>) offsets(%dma_start3A_33 : memref<32xi32, #tpu.memory_space<vmem>>) semaphore(%arg12 : memref<!tpu.dma_semaphore, #tpu.memory_space<semaphore_mem>>)
    %add3A_37 = arith.constant 32 : i32
    %add3A_38 = arith.addi %mul3A_2, %add3A_37 : i32
    %dma_wait3A_39 = arith.constant 0 : i32
    %dma_wait3A_40 = tpu.memref_slice %arg8[%dma_wait3A_39] : memref<64xi32, #tpu.memory_space<vmem>> -> memref<32xi32, #tpu.memory_space<vmem>>
    %dma_wait3A_41 = arith.constant 0 : i32
    %dma_wait3A_42 = arith.constant 0 : i32
    %dma_wait3A_43 = tpu.memref_slice %arg4[%dma_wait3A_41, %dma_wait3A_42] : memref<6144x1024xf32, #tpu.memory_space<hbm>> -> memref<6144x1024xf32, #tpu.memory_space<hbm>>
    tpu.wait_indirect_dma semaphore(%arg11 : memref<!tpu.dma_semaphore, #tpu.memory_space<semaphore_mem>>) src(%dma_wait3A_43 : memref<6144x1024xf32, #tpu.memory_space<hbm>>) dst(%arg9 : memref<32x1024xf32, #tpu.memory_space<vmem>>)
    "tpu.region"() ({
      %run_scoped3A = tpu.sem_alloc : memref<!tpu.dma_semaphore, #tpu.memory_space<semaphore_mem>>
      %dma_start3A_49 = arith.constant 0 : i32
      %dma_start3A_50 = tpu.memref_slice %arg6[%add3A_26, %dma_start3A_49] : memref<2048x1024xf32, #tpu.memory_space<hbm>> -> memref<32x1024xf32, #tpu.memory_space<hbm>>
      %dma_start3A_51 = arith.constant 0 : i32
      %dma_start3A_52 = tpu.memref_slice %arg6[%add3A_26, %dma_start3A_51] : memref<2048x1024xf32, #tpu.memory_space<hbm>> -> memref<32x1024xf32, #tpu.memory_space<hbm>>
      tpu.enqueue_dma source(%arg9 : memref<32x1024xf32, #tpu.memory_space<vmem>>) target(%dma_start3A_52 : memref<32x1024xf32, #tpu.memory_space<hbm>>) target_semaphore(%run_scoped3A : memref<!tpu.dma_semaphore, #tpu.memory_space<semaphore_mem>>)
      %dma_wait3A_53 = arith.constant 0 : i32
      %dma_wait3A_54 = tpu.memref_slice %arg6[%add3A_26, %dma_wait3A_53] : memref<2048x1024xf32, #tpu.memory_space<hbm>> -> memref<32x1024xf32, #tpu.memory_space<hbm>>
      %dma_wait3A_55 = arith.constant 0 : i32
      %dma_wait3A_56 = tpu.memref_slice %arg6[%add3A_26, %dma_wait3A_55] : memref<2048x1024xf32, #tpu.memory_space<hbm>> -> memref<32x1024xf32, #tpu.memory_space<hbm>>
      tpu.wait_dma2 semaphore(%run_scoped3A : memref<!tpu.dma_semaphore, #tpu.memory_space<semaphore_mem>>) src(%arg9 : memref<32x1024xf32, #tpu.memory_space<vmem>>) dst(%dma_wait3A_56 : memref<32x1024xf32, #tpu.memory_space<hbm>>)
      tpu.yield
    }) : () -> ()
    %dma_wait3A_44 = arith.constant 32 : i32
    %dma_wait3A_45 = tpu.memref_slice %arg8[%dma_wait3A_44] : memref<64xi32, #tpu.memory_space<vmem>> -> memref<32xi32, #tpu.memory_space<vmem>>
    %dma_wait3A_46 = arith.constant 0 : i32
    %dma_wait3A_47 = arith.constant 0 : i32
    %dma_wait3A_48 = tpu.memref_slice %arg4[%dma_wait3A_46, %dma_wait3A_47] : memref<6144x1024xf32, #tpu.memory_space<hbm>> -> memref<6144x1024xf32, #tpu.memory_space<hbm>>
    tpu.wait_indirect_dma semaphore(%arg12 : memref<!tpu.dma_semaphore, #tpu.memory_space<semaphore_mem>>) src(%dma_wait3A_48 : memref<6144x1024xf32, #tpu.memory_space<hbm>>) dst(%arg10 : memref<32x1024xf32, #tpu.memory_space<vmem>>)
    "tpu.region"() ({
      %run_scoped3A = tpu.sem_alloc : memref<!tpu.dma_semaphore, #tpu.memory_space<semaphore_mem>>
      %dma_start3A_49 = arith.constant 0 : i32
      %dma_start3A_50 = tpu.memref_slice %arg6[%add3A_38, %dma_start3A_49] : memref<2048x1024xf32, #tpu.memory_space<hbm>> -> memref<32x1024xf32, #tpu.memory_space<hbm>>
      %dma_start3A_51 = arith.constant 0 : i32
      %dma_start3A_52 = tpu.memref_slice %arg6[%add3A_38, %dma_start3A_51] : memref<2048x1024xf32, #tpu.memory_space<hbm>> -> memref<32x1024xf32, #tpu.memory_space<hbm>>
      tpu.enqueue_dma source(%arg10 : memref<32x1024xf32, #tpu.memory_space<vmem>>) target(%dma_start3A_52 : memref<32x1024xf32, #tpu.memory_space<hbm>>) target_semaphore(%run_scoped3A : memref<!tpu.dma_semaphore, #tpu.memory_space<semaphore_mem>>)
      %dma_wait3A_53 = arith.constant 0 : i32
      %dma_wait3A_54 = tpu.memref_slice %arg6[%add3A_38, %dma_wait3A_53] : memref<2048x1024xf32, #tpu.memory_space<hbm>> -> memref<32x1024xf32, #tpu.memory_space<hbm>>
      %dma_wait3A_55 = arith.constant 0 : i32
      %dma_wait3A_56 = tpu.memref_slice %arg6[%add3A_38, %dma_wait3A_55] : memref<2048x1024xf32, #tpu.memory_space<hbm>> -> memref<32x1024xf32, #tpu.memory_space<hbm>>
      tpu.wait_dma2 semaphore(%run_scoped3A : memref<!tpu.dma_semaphore, #tpu.memory_space<semaphore_mem>>) src(%arg10 : memref<32x1024xf32, #tpu.memory_space<vmem>>) dst(%dma_wait3A_56 : memref<32x1024xf32, #tpu.memory_space<hbm>>)
      tpu.yield
    }) : () -> ()
    return
  }
}

module attributes {stable_mosaic.version = 14 : i64} {
  func.func @_k4_body(%arg0: i32, %arg1: memref<24xi32, #tpu.memory_space<smem>>, %arg2: memref<24xi32, #tpu.memory_space<smem>>, %arg3: memref<256x1024xf32, #tpu.memory_space<vmem>>, %arg4: memref<1x512x1024xf32, #tpu.memory_space<vmem>>, %arg5: memref<1x512x1024xf32, #tpu.memory_space<vmem>>, %arg6: memref<1x1024x512xf32, #tpu.memory_space<vmem>>, %arg7: memref<1x256x128xf32, #tpu.memory_space<vmem>>, %arg8: memref<256x1024xf32, #tpu.memory_space<vmem>>) attributes {dimension_semantics = [#tpu.dimension_semantics<arbitrary>], iteration_bounds = array<i64: 24>, scalar_prefetch = 2 : i64, scratch_operands = 0 : i64, tpu.core_type = #tpu.core_type<tc>, window_params = [{transform_indices = @transform_0, window_bounds = array<i64: 256, 1024>}, {transform_indices = @transform_1, window_bounds = array<i64: 1, 512, 1024>}, {transform_indices = @transform_2, window_bounds = array<i64: 1, 512, 1024>}, {transform_indices = @transform_3, window_bounds = array<i64: 1, 1024, 512>}, {transform_indices = @transform_4, window_bounds = array<i64: 1, 256, 128>}, {transform_indices = @transform_5, window_bounds = array<i64: 256, 1024>}]} {
    %get3A = arith.index_cast %arg0 : i32 to index
    %get3A_0 = memref.load %arg2[%get3A] : memref<24xi32, #tpu.memory_space<smem>>
    %gt3A = arith.constant 0 : i32
    %gt3A_1 = arith.cmpi sgt, %get3A_0, %gt3A : i32
    %convert_element_type3A = arith.extui %gt3A_1 : i1 to i32
    %cond3A = arith.constant 0 : i32
    %cond3A_2 = arith.cmpi ne, %convert_element_type3A, %cond3A : i32
    scf.if %cond3A_2 {
      %get3A_3 = arith.constant 0 : index
      %get3A_4 = arith.constant 0 : index
      %get3A_5 = vector.load %arg3[%get3A_3, %get3A_4] : memref<256x1024xf32, #tpu.memory_space<vmem>>, vector<256x1024xf32>
      %convert_element_type3A_6 = arith.truncf %get3A_5 : vector<256x1024xf32> to vector<256x1024xbf16>
      %get3A_7 = arith.constant 0 : index
      %get3A_8 = arith.constant 0 : index
      %get3A_9 = arith.constant 0 : index
      %get3A_10 = vector.load %arg4[%get3A_7, %get3A_8, %get3A_9] : memref<1x512x1024xf32, #tpu.memory_space<vmem>>, vector<1x512x1024xf32>
      %get3A_11 = vector.shape_cast %get3A_10 : vector<1x512x1024xf32> to vector<512x1024xf32>
      %get3A_12 = arith.constant 0 : index
      %get3A_13 = arith.constant 0 : index
      %get3A_14 = arith.constant 0 : index
      %get3A_15 = vector.load %arg5[%get3A_12, %get3A_13, %get3A_14] : memref<1x512x1024xf32, #tpu.memory_space<vmem>>, vector<1x512x1024xf32>
      %get3A_16 = vector.shape_cast %get3A_15 : vector<1x512x1024xf32> to vector<512x1024xf32>
      %get3A_17 = arith.constant 0 : index
      %get3A_18 = arith.constant 0 : index
      %get3A_19 = arith.constant 0 : index
      %get3A_20 = vector.load %arg6[%get3A_17, %get3A_18, %get3A_19] : memref<1x1024x512xf32, #tpu.memory_space<vmem>>, vector<1x1024x512xf32>
      %get3A_21 = vector.shape_cast %get3A_20 : vector<1x1024x512xf32> to vector<1024x512xf32>
      %convert_element_type3A_22 = arith.truncf %get3A_11 : vector<512x1024xf32> to vector<512x1024xbf16>
      %dot_general3A = arith.constant dense<0.000000e+00> : vector<256x512xf32>
      %dot_general3A_23 = tpu.matmul %convert_element_type3A_6, %convert_element_type3A_22, %dot_general3A {dimension_numbers = #tpu.dot_dimension_numbers<[1], [1], [0], [0], [0, 0, 1, 0], [], []>, transpose_lhs_hint = false} : vector<256x1024xbf16>, vector<512x1024xbf16>, vector<256x512xf32> -> vector<256x512xf32>
      %convert_element_type3A_24 = arith.truncf %get3A_16 : vector<512x1024xf32> to vector<512x1024xbf16>
      %dot_general3A_25 = arith.constant dense<0.000000e+00> : vector<256x512xf32>
      %dot_general3A_26 = tpu.matmul %convert_element_type3A_6, %convert_element_type3A_24, %dot_general3A_25 {dimension_numbers = #tpu.dot_dimension_numbers<[1], [1], [0], [0], [0, 0, 1, 0], [], []>, transpose_lhs_hint = false} : vector<256x1024xbf16>, vector<512x1024xbf16>, vector<256x512xf32> -> vector<256x512xf32>
      %logistic3A = arith.negf %dot_general3A_23 : vector<256x512xf32>
      %logistic3A_27 = math.exp %logistic3A : vector<256x512xf32>
      %logistic3A_28 = arith.constant 1.000000e+00 : f32
      %logistic3A_29 = vector.broadcast %logistic3A_28 : f32 to vector<256x512xf32>
      %logistic3A_30 = arith.addf %logistic3A_29, %logistic3A_27 : vector<256x512xf32>
      %logistic3A_31 = arith.divf %logistic3A_29, %logistic3A_30 : vector<256x512xf32>
      %mul3A = arith.mulf %dot_general3A_23, %logistic3A_31 : vector<256x512xf32>
      %mul3A_32 = arith.mulf %mul3A, %dot_general3A_26 : vector<256x512xf32>
      %convert_element_type3A_33 = arith.truncf %mul3A_32 : vector<256x512xf32> to vector<256x512xbf16>
      %convert_element_type3A_34 = arith.truncf %get3A_21 : vector<1024x512xf32> to vector<1024x512xbf16>
      %dot_general3A_35 = arith.constant dense<0.000000e+00> : vector<256x1024xf32>
      %dot_general3A_36 = tpu.matmul %convert_element_type3A_33, %convert_element_type3A_34, %dot_general3A_35 {dimension_numbers = #tpu.dot_dimension_numbers<[1], [1], [0], [0], [0, 0, 1, 0], [], []>, transpose_lhs_hint = false} : vector<256x512xbf16>, vector<1024x512xbf16>, vector<256x1024xf32> -> vector<256x1024xf32>
      %get3A_37 = arith.constant 0 : index
      %get3A_38 = arith.constant 0 : index
      %get3A_39 = arith.constant 0 : index
      %get3A_40 = vector.load %arg7[%get3A_37, %get3A_38, %get3A_39] : memref<1x256x128xf32, #tpu.memory_space<vmem>>, vector<1x256x128xf32>
      %get3A_41 = vector.shape_cast %get3A_40 : vector<1x256x128xf32> to vector<256x128xf32>
      %slice3A = vector.extract_strided_slice %get3A_41 {offsets = [0, 0], sizes = [256, 1], strides = [1, 1]} : vector<256x128xf32> to vector<256x1xf32>
      %mul3A_42 = vector.broadcast %slice3A : vector<256x1xf32> to vector<256x1024xf32>
      %mul3A_43 = arith.mulf %dot_general3A_36, %mul3A_42 : vector<256x1024xf32>
      %swap3A = arith.constant 0 : index
      %swap3A_44 = arith.constant 0 : index
      %swap3A_45 = vector.load %arg8[%swap3A, %swap3A_44] : memref<256x1024xf32, #tpu.memory_space<vmem>>, vector<256x1024xf32>
      tpu.vector_store %arg8[%swap3A, %swap3A_44], %mul3A_43 {strides = array<i32>} : memref<256x1024xf32, #tpu.memory_space<vmem>>, vector<256x1024xf32>,
    } else {
    }
    return
  }
  func.func @transform_0(%arg0: i32, %arg1: memref<24xi32, #tpu.memory_space<smem>>, %arg2: memref<24xi32, #tpu.memory_space<smem>>) -> (i32, i32) {
    %c0_i32 = arith.constant 0 : i32
    %c0_i32_0 = arith.constant 0 : i32
    return %arg0, %c0_i32 : i32, i32
  }
  func.func @transform_1(%arg0: i32, %arg1: memref<24xi32, #tpu.memory_space<smem>>, %arg2: memref<24xi32, #tpu.memory_space<smem>>) -> (i32, i32, i32) {
    %get3A = arith.index_cast %arg0 : i32 to index
    %get3A_0 = memref.load %arg1[%get3A] : memref<24xi32, #tpu.memory_space<smem>>
    %c0_i32 = arith.constant 0 : i32
    %c0_i32_1 = arith.constant 0 : i32
    %c0_i32_2 = arith.constant 0 : i32
    return %get3A_0, %c0_i32, %c0_i32_1 : i32, i32, i32
  }
  func.func @transform_2(%arg0: i32, %arg1: memref<24xi32, #tpu.memory_space<smem>>, %arg2: memref<24xi32, #tpu.memory_space<smem>>) -> (i32, i32, i32) {
    %get3A = arith.index_cast %arg0 : i32 to index
    %get3A_0 = memref.load %arg1[%get3A] : memref<24xi32, #tpu.memory_space<smem>>
    %c0_i32 = arith.constant 0 : i32
    %c0_i32_1 = arith.constant 0 : i32
    %c0_i32_2 = arith.constant 0 : i32
    return %get3A_0, %c0_i32, %c0_i32_1 : i32, i32, i32
  }
  func.func @transform_3(%arg0: i32, %arg1: memref<24xi32, #tpu.memory_space<smem>>, %arg2: memref<24xi32, #tpu.memory_space<smem>>) -> (i32, i32, i32) {
    %get3A = arith.index_cast %arg0 : i32 to index
    %get3A_0 = memref.load %arg1[%get3A] : memref<24xi32, #tpu.memory_space<smem>>
    %c0_i32 = arith.constant 0 : i32
    %c0_i32_1 = arith.constant 0 : i32
    %c0_i32_2 = arith.constant 0 : i32
    return %get3A_0, %c0_i32, %c0_i32_1 : i32, i32, i32
  }
  func.func @transform_4(%arg0: i32, %arg1: memref<24xi32, #tpu.memory_space<smem>>, %arg2: memref<24xi32, #tpu.memory_space<smem>>) -> (i32, i32, i32) {
    %c0_i32 = arith.constant 0 : i32
    %c0_i32_0 = arith.constant 0 : i32
    %c0_i32_1 = arith.constant 0 : i32
    return %arg0, %c0_i32, %c0_i32_0 : i32, i32, i32
  }
  func.func @transform_5(%arg0: i32, %arg1: memref<24xi32, #tpu.memory_space<smem>>, %arg2: memref<24xi32, #tpu.memory_space<smem>>) -> (i32, i32) {
    %c0_i32 = arith.constant 0 : i32
    %c0_i32_0 = arith.constant 0 : i32
    return %arg0, %c0_i32 : i32, i32
  }
}

module attributes {stable_mosaic.version = 14 : i64} {
  func.func @_k6a_body(%arg0: i32, %arg1: memref<512x1024xf32, #tpu.memory_space<vmem>>, %arg2: memref<512x1024xf32, #tpu.memory_space<vmem>>, %arg3: memref<512x1024xf32, #tpu.memory_space<vmem>>, %arg4: memref<1024x512xf32, #tpu.memory_space<vmem>>, %arg5: memref<512x1024xf32, #tpu.memory_space<vmem>>) attributes {dimension_semantics = [#tpu.dimension_semantics<arbitrary>], iteration_bounds = array<i64: 4>, scalar_prefetch = 0 : i64, scratch_operands = 0 : i64, tpu.core_type = #tpu.core_type<tc>, window_params = [{transform_indices = @transform_0, window_bounds = array<i64: 512, 1024>}, {pipeline_mode = #tpu.pipeline_mode<synchronous>, transform_indices = @transform_1, window_bounds = array<i64: 512, 1024>}, {pipeline_mode = #tpu.pipeline_mode<synchronous>, transform_indices = @transform_2, window_bounds = array<i64: 512, 1024>}, {pipeline_mode = #tpu.pipeline_mode<synchronous>, transform_indices = @transform_3, window_bounds = array<i64: 1024, 512>}, {transform_indices = @transform_4, window_bounds = array<i64: 512, 1024>}]} {
    %get3A = arith.constant 0 : index
    %get3A_0 = arith.constant 0 : index
    %get3A_1 = vector.load %arg1[%get3A, %get3A_0] : memref<512x1024xf32, #tpu.memory_space<vmem>>, vector<512x1024xf32>
    %convert_element_type3A = arith.truncf %get3A_1 : vector<512x1024xf32> to vector<512x1024xbf16>
    %get3A_2 = arith.constant 0 : index
    %get3A_3 = arith.constant 0 : index
    %get3A_4 = vector.load %arg2[%get3A_2, %get3A_3] : memref<512x1024xf32, #tpu.memory_space<vmem>>, vector<512x1024xf32>
    %get3A_5 = arith.constant 0 : index
    %get3A_6 = arith.constant 0 : index
    %get3A_7 = vector.load %arg3[%get3A_5, %get3A_6] : memref<512x1024xf32, #tpu.memory_space<vmem>>, vector<512x1024xf32>
    %get3A_8 = arith.constant 0 : index
    %get3A_9 = arith.constant 0 : index
    %get3A_10 = vector.load %arg4[%get3A_8, %get3A_9] : memref<1024x512xf32, #tpu.memory_space<vmem>>, vector<1024x512xf32>
    %convert_element_type3A_11 = arith.truncf %get3A_4 : vector<512x1024xf32> to vector<512x1024xbf16>
    %dot_general3A = arith.constant dense<0.000000e+00> : vector<512x512xf32>
    %dot_general3A_12 = tpu.matmul %convert_element_type3A, %convert_element_type3A_11, %dot_general3A {dimension_numbers = #tpu.dot_dimension_numbers<[1], [1], [0], [0], [0, 0, 1, 0], [], []>, transpose_lhs_hint = false} : vector<512x1024xbf16>, vector<512x1024xbf16>, vector<512x512xf32> -> vector<512x512xf32>
    %convert_element_type3A_13 = arith.truncf %get3A_7 : vector<512x1024xf32> to vector<512x1024xbf16>
    %dot_general3A_14 = arith.constant dense<0.000000e+00> : vector<512x512xf32>
    %dot_general3A_15 = tpu.matmul %convert_element_type3A, %convert_element_type3A_13, %dot_general3A_14 {dimension_numbers = #tpu.dot_dimension_numbers<[1], [1], [0], [0], [0, 0, 1, 0], [], []>, transpose_lhs_hint = false} : vector<512x1024xbf16>, vector<512x1024xbf16>, vector<512x512xf32> -> vector<512x512xf32>
    %logistic3A = arith.negf %dot_general3A_12 : vector<512x512xf32>
    %logistic3A_16 = math.exp %logistic3A : vector<512x512xf32>
    %logistic3A_17 = arith.constant 1.000000e+00 : f32
    %logistic3A_18 = vector.broadcast %logistic3A_17 : f32 to vector<512x512xf32>
    %logistic3A_19 = arith.addf %logistic3A_18, %logistic3A_16 : vector<512x512xf32>
    %logistic3A_20 = arith.divf %logistic3A_18, %logistic3A_19 : vector<512x512xf32>
    %mul3A = arith.mulf %dot_general3A_12, %logistic3A_20 : vector<512x512xf32>
    %mul3A_21 = arith.mulf %mul3A, %dot_general3A_15 : vector<512x512xf32>
    %convert_element_type3A_22 = arith.truncf %mul3A_21 : vector<512x512xf32> to vector<512x512xbf16>
    %convert_element_type3A_23 = arith.truncf %get3A_10 : vector<1024x512xf32> to vector<1024x512xbf16>
    %dot_general3A_24 = arith.constant dense<0.000000e+00> : vector<512x1024xf32>
    %dot_general3A_25 = tpu.matmul %convert_element_type3A_22, %convert_element_type3A_23, %dot_general3A_24 {dimension_numbers = #tpu.dot_dimension_numbers<[1], [1], [0], [0], [0, 0, 1, 0], [], []>, transpose_lhs_hint = false} : vector<512x512xbf16>, vector<1024x512xbf16>, vector<512x1024xf32> -> vector<512x1024xf32>
    %swap3A = arith.constant 0 : index
    %swap3A_26 = arith.constant 0 : index
    %swap3A_27 = vector.load %arg5[%swap3A, %swap3A_26] : memref<512x1024xf32, #tpu.memory_space<vmem>>, vector<512x1024xf32>
    tpu.vector_store %arg5[%swap3A, %swap3A_26], %dot_general3A_25 {strides = array<i32>} : memref<512x1024xf32, #tpu.memory_space<vmem>>, vector<512x1024xf32>,
    return
  }
  func.func @transform_0(%arg0: i32) -> (i32, i32) {
    %c0_i32 = arith.constant 0 : i32
    %c0_i32_0 = arith.constant 0 : i32
    return %arg0, %c0_i32 : i32, i32
  }
  func.func @transform_1(%arg0: i32) -> (i32, i32) {
    %c0_i32 = arith.constant 0 : i32
    %c0_i32_0 = arith.constant 0 : i32
    %c0_i32_1 = arith.constant 0 : i32
    return %c0_i32, %c0_i32_0 : i32, i32
  }
  func.func @transform_2(%arg0: i32) -> (i32, i32) {
    %c0_i32 = arith.constant 0 : i32
    %c0_i32_0 = arith.constant 0 : i32
    %c0_i32_1 = arith.constant 0 : i32
    return %c0_i32, %c0_i32_0 : i32, i32
  }
  func.func @transform_3(%arg0: i32) -> (i32, i32) {
    %c0_i32 = arith.constant 0 : i32
    %c0_i32_0 = arith.constant 0 : i32
    %c0_i32_1 = arith.constant 0 : i32
    return %c0_i32, %c0_i32_0 : i32, i32
  }
  func.func @transform_4(%arg0: i32) -> (i32, i32) {
    %c0_i32 = arith.constant 0 : i32
    %c0_i32_0 = arith.constant 0 : i32
    return %arg0, %c0_i32 : i32, i32
  }
}

module attributes {stable_mosaic.version = 14 : i64} {
  func.func @_k1_body(%arg0: memref<2048x1024xf32, #tpu.memory_space<vmem>>, %arg1: memref<8x1024xf32, #tpu.memory_space<vmem>>, %arg2: memref<1x8xf32, #tpu.memory_space<vmem>>, %arg3: memref<2048x1xi32, #tpu.memory_space<vmem>>, %arg4: memref<2048x1xi32, #tpu.memory_space<vmem>>, %arg5: memref<2048x128xf32, #tpu.memory_space<vmem>>, %arg6: memref<2048x128xf32, #tpu.memory_space<vmem>>, %arg7: memref<24x1xi32, #tpu.memory_space<vmem>>, %arg8: memref<24x1xi32, #tpu.memory_space<vmem>>) attributes {dimension_semantics = [], scalar_prefetch = 0 : i64, scratch_operands = 0 : i64, tpu.core_type = #tpu.core_type<tc>} {
    %get3A = arith.constant 0 : index
    %get3A_0 = arith.constant 0 : index
    %get3A_1 = vector.load %arg0[%get3A, %get3A_0] : memref<2048x1024xf32, #tpu.memory_space<vmem>>, vector<2048x1024xf32>
    %convert_element_type3A = arith.truncf %get3A_1 : vector<2048x1024xf32> to vector<2048x1024xbf16>
    %get3A_2 = arith.constant 0 : index
    %get3A_3 = arith.constant 0 : index
    %get3A_4 = vector.load %arg1[%get3A_2, %get3A_3] : memref<8x1024xf32, #tpu.memory_space<vmem>>, vector<8x1024xf32>
    %convert_element_type3A_5 = arith.truncf %get3A_4 : vector<8x1024xf32> to vector<8x1024xbf16>
    %dot_general3A = arith.constant dense<0.000000e+00> : vector<2048x8xf32>
    %dot_general3A_6 = tpu.matmul %convert_element_type3A, %convert_element_type3A_5, %dot_general3A {dimension_numbers = #tpu.dot_dimension_numbers<[1], [1], [0], [0], [0, 0, 1, 0], [], []>, transpose_lhs_hint = false} : vector<2048x1024xbf16>, vector<8x1024xbf16>, vector<2048x8xf32> -> vector<2048x8xf32>
    %logistic3A = arith.negf %dot_general3A_6 : vector<2048x8xf32>
    %logistic3A_7 = math.exp %logistic3A : vector<2048x8xf32>
    %logistic3A_8 = arith.constant 1.000000e+00 : f32
    %logistic3A_9 = vector.broadcast %logistic3A_8 : f32 to vector<2048x8xf32>
    %logistic3A_10 = arith.addf %logistic3A_9, %logistic3A_7 : vector<2048x8xf32>
    %logistic3A_11 = arith.divf %logistic3A_9, %logistic3A_10 : vector<2048x8xf32>
    %get3A_12 = arith.constant 0 : index
    %get3A_13 = arith.constant 0 : index
    %get3A_14 = vector.load %arg2[%get3A_12, %get3A_13] : memref<1x8xf32, #tpu.memory_space<vmem>>, vector<1x8xf32>
    %add3A = vector.broadcast %get3A_14 : vector<1x8xf32> to vector<2048x8xf32>
    %add3A_15 = arith.addf %logistic3A_11, %add3A : vector<2048x8xf32>
    %iota3A = tpu.iota {dimensions = array<i32: 1>} : vector<2048x8xi32>
    %reduce_max3A = arith.constant dense<0xFF800000> : vector<2048xf32>
    %reduce_max3A_16 = vector.multi_reduction <maximumf>, %add3A_15, %reduce_max3A [1] : vector<2048x8xf32> to vector<2048xf32>
    %broadcast_in_dim3A = vector.shape_cast %reduce_max3A_16 : vector<2048xf32> to vector<2048x1xf32>
    %ge3A = vector.broadcast %broadcast_in_dim3A : vector<2048x1xf32> to vector<2048x8xf32>
    %ge3A_17 = arith.cmpf oge, %add3A_15, %ge3A : vector<2048x8xf32>
    %jit3A = arith.constant 8 : i32
    %broadcast_in_dim3A_18 = vector.broadcast %jit3A : i32 to vector<2048x8xi32>
    %select_n3A = arith.select %ge3A_17, %iota3A, %broadcast_in_dim3A_18 : vector<2048x8xi1>, vector<2048x8xi32>
    %reduce_min3A = arith.constant dense<2147483647> : vector<2048xi32>
    %reduce_min3A_19 = vector.multi_reduction <minsi>, %select_n3A, %reduce_min3A [1] : vector<2048x8xi32> to vector<2048xi32>
    %broadcast_in_dim3A_20 = vector.shape_cast %reduce_min3A_19 : vector<2048xi32> to vector<2048x1xi32>
    %eq3A = vector.broadcast %broadcast_in_dim3A_20 : vector<2048x1xi32> to vector<2048x8xi32>
    %eq3A_21 = arith.cmpi eq, %iota3A, %eq3A : vector<2048x8xi32>
    %jit3A_22 = arith.constant -1.000000e+30 : f32
    %broadcast_in_dim3A_23 = vector.broadcast %jit3A_22 : f32 to vector<2048x8xf32>
    %select_n3A_24 = arith.select %eq3A_21, %broadcast_in_dim3A_23, %add3A_15 : vector<2048x8xi1>, vector<2048x8xf32>
    %reduce_max3A_25 = arith.constant dense<0xFF800000> : vector<2048xf32>
    %reduce_max3A_26 = vector.multi_reduction <maximumf>, %select_n3A_24, %reduce_max3A_25 [1] : vector<2048x8xf32> to vector<2048xf32>
    %broadcast_in_dim3A_27 = vector.shape_cast %reduce_max3A_26 : vector<2048xf32> to vector<2048x1xf32>
    %ge3A_28 = vector.broadcast %broadcast_in_dim3A_27 : vector<2048x1xf32> to vector<2048x8xf32>
    %ge3A_29 = arith.cmpf oge, %select_n3A_24, %ge3A_28 : vector<2048x8xf32>
    %jit3A_30 = arith.constant 8 : i32
    %broadcast_in_dim3A_31 = vector.broadcast %jit3A_30 : i32 to vector<2048x8xi32>
    %select_n3A_32 = arith.select %ge3A_29, %iota3A, %broadcast_in_dim3A_31 : vector<2048x8xi1>, vector<2048x8xi32>
    %reduce_min3A_33 = arith.constant dense<2147483647> : vector<2048xi32>
    %reduce_min3A_34 = vector.multi_reduction <minsi>, %select_n3A_32, %reduce_min3A_33 [1] : vector<2048x8xi32> to vector<2048xi32>
    %broadcast_in_dim3A_35 = vector.shape_cast %reduce_min3A_34 : vector<2048xi32> to vector<2048x1xi32>
    %eq3A_36 = vector.broadcast %broadcast_in_dim3A_35 : vector<2048x1xi32> to vector<2048x8xi32>
    %eq3A_37 = arith.cmpi eq, %iota3A, %eq3A_36 : vector<2048x8xi32>
    %or3A = arith.ori %eq3A_21, %eq3A_37 : vector<2048x8xi1>
    %jit3A_38 = arith.constant 0.000000e+00 : f32
    %broadcast_in_dim3A_39 = vector.broadcast %jit3A_38 : f32 to vector<2048x8xf32>
    %select_n3A_40 = arith.select %or3A, %logistic3A_11, %broadcast_in_dim3A_39 : vector<2048x8xi1>, vector<2048x8xf32>
    %reduce_sum3A = arith.constant dense<0.000000e+00> : vector<2048xf32>
    %reduce_sum3A_41 = vector.multi_reduction <add>, %select_n3A_40, %reduce_sum3A [1] : vector<2048x8xf32> to vector<2048xf32>
    %broadcast_in_dim3A_42 = vector.shape_cast %reduce_sum3A_41 : vector<2048xf32> to vector<2048x1xf32>
    %jit3A_43 = arith.constant 0.000000e+00 : f32
    %broadcast_in_dim3A_44 = vector.broadcast %jit3A_43 : f32 to vector<2048x8xf32>
    %select_n3A_45 = arith.select %eq3A_21, %logistic3A_11, %broadcast_in_dim3A_44 : vector<2048x8xi1>, vector<2048x8xf32>
    %reduce_sum3A_46 = arith.constant dense<0.000000e+00> : vector<2048xf32>
    %reduce_sum3A_47 = vector.multi_reduction <add>, %select_n3A_45, %reduce_sum3A_46 [1] : vector<2048x8xf32> to vector<2048xf32>
    %broadcast_in_dim3A_48 = vector.shape_cast %reduce_sum3A_47 : vector<2048xf32> to vector<2048x1xf32>
    %div3A = arith.constant 2.500000e+00 : f32
    %div3A_49 = vector.broadcast %div3A : f32 to vector<2048x1xf32>
    %div3A_50 = arith.divf %div3A_49, %broadcast_in_dim3A_42 : vector<2048x1xf32>
    %mul3A = arith.mulf %broadcast_in_dim3A_48, %div3A_50 : vector<2048x1xf32>
    %jit3A_51 = arith.constant 0.000000e+00 : f32
    %broadcast_in_dim3A_52 = vector.broadcast %jit3A_51 : f32 to vector<2048x8xf32>
    %select_n3A_53 = arith.select %eq3A_37, %logistic3A_11, %broadcast_in_dim3A_52 : vector<2048x8xi1>, vector<2048x8xf32>
    %reduce_sum3A_54 = arith.constant dense<0.000000e+00> : vector<2048xf32>
    %reduce_sum3A_55 = vector.multi_reduction <add>, %select_n3A_53, %reduce_sum3A_54 [1] : vector<2048x8xf32> to vector<2048xf32>
    %broadcast_in_dim3A_56 = vector.shape_cast %reduce_sum3A_55 : vector<2048xf32> to vector<2048x1xf32>
    %div3A_57 = arith.constant 2.500000e+00 : f32
    %div3A_58 = vector.broadcast %div3A_57 : f32 to vector<2048x1xf32>
    %div3A_59 = arith.divf %div3A_58, %broadcast_in_dim3A_42 : vector<2048x1xf32>
    %mul3A_60 = arith.mulf %broadcast_in_dim3A_56, %div3A_59 : vector<2048x1xf32>
    %broadcast_in_dim3A_61 = vector.shape_cast %mul3A : vector<2048x1xf32> to vector<2048x1xf32>
    %broadcast_in_dim3A_62 = vector.broadcast %broadcast_in_dim3A_61 : vector<2048x1xf32> to vector<2048x128xf32>
    %swap3A = arith.constant 0 : index
    %swap3A_63 = arith.constant 0 : index
    %swap3A_64 = vector.load %arg5[%swap3A, %swap3A_63] : memref<2048x128xf32, #tpu.memory_space<vmem>>, vector<2048x128xf32>
    tpu.vector_store %arg5[%swap3A, %swap3A_63], %broadcast_in_dim3A_62 {strides = array<i32>} : memref<2048x128xf32, #tpu.memory_space<vmem>>, vector<2048x128xf32>,
    %broadcast_in_dim3A_65 = vector.shape_cast %mul3A_60 : vector<2048x1xf32> to vector<2048x1xf32>
    %broadcast_in_dim3A_66 = vector.broadcast %broadcast_in_dim3A_65 : vector<2048x1xf32> to vector<2048x128xf32>
    %swap3A_67 = arith.constant 0 : index
    %swap3A_68 = arith.constant 0 : index
    %swap3A_69 = vector.load %arg6[%swap3A_67, %swap3A_68] : memref<2048x128xf32, #tpu.memory_space<vmem>>, vector<2048x128xf32>
    tpu.vector_store %arg6[%swap3A_67, %swap3A_68], %broadcast_in_dim3A_66 {strides = array<i32>} : memref<2048x128xf32, #tpu.memory_space<vmem>>, vector<2048x128xf32>,
    %convert_element_type3A_70 = arith.extui %eq3A_21 : vector<2048x8xi1> to vector<2048x8xi32>
    %convert_element_type3A_71 = arith.sitofp %convert_element_type3A_70 : vector<2048x8xi32> to vector<2048x8xf32>
    %convert_element_type3A_72 = arith.extui %eq3A_37 : vector<2048x8xi1> to vector<2048x8xi32>
    %convert_element_type3A_73 = arith.sitofp %convert_element_type3A_72 : vector<2048x8xi32> to vector<2048x8xf32>
    %broadcast_in_dim3A_74 = arith.constant 0.000000e+00 : f32
    %broadcast_in_dim3A_75 = vector.broadcast %broadcast_in_dim3A_74 : f32 to vector<1x8xf32>
    %slice3A = vector.extract_strided_slice %convert_element_type3A_71 {offsets = [0, 0], sizes = [2047, 8], strides = [1, 1]} : vector<2048x8xf32> to vector<2047x8xf32>
    %concatenate3A = tpu.concatenate %broadcast_in_dim3A_75, %slice3A in 0 : vector<1x8xf32>, vector<2047x8xf32> -> vector<2048x8xf32>
    %add3A_76 = arith.addf %convert_element_type3A_71, %concatenate3A : vector<2048x8xf32>
    %broadcast_in_dim3A_77 = arith.constant 0.000000e+00 : f32
    %broadcast_in_dim3A_78 = vector.broadcast %broadcast_in_dim3A_77 : f32 to vector<1x8xf32>
    %slice3A_79 = vector.extract_strided_slice %convert_element_type3A_73 {offsets = [0, 0], sizes = [2047, 8], strides = [1, 1]} : vector<2048x8xf32> to vector<2047x8xf32>
    %concatenate3A_80 = tpu.concatenate %broadcast_in_dim3A_78, %slice3A_79 in 0 : vector<1x8xf32>, vector<2047x8xf32> -> vector<2048x8xf32>
    %add3A_81 = arith.addf %convert_element_type3A_73, %concatenate3A_80 : vector<2048x8xf32>
    %broadcast_in_dim3A_82 = arith.constant 0.000000e+00 : f32
    %broadcast_in_dim3A_83 = vector.broadcast %broadcast_in_dim3A_82 : f32 to vector<2x8xf32>
    %slice3A_84 = vector.extract_strided_slice %add3A_76 {offsets = [0, 0], sizes = [2046, 8], strides = [1, 1]} : vector<2048x8xf32> to vector<2046x8xf32>
    %concatenate3A_85 = tpu.concatenate %broadcast_in_dim3A_83, %slice3A_84 in 0 : vector<2x8xf32>, vector<2046x8xf32> -> vector<2048x8xf32>
    %add3A_86 = arith.addf %add3A_76, %concatenate3A_85 : vector<2048x8xf32>
    %broadcast_in_dim3A_87 = arith.constant 0.000000e+00 : f32
    %broadcast_in_dim3A_88 = vector.broadcast %broadcast_in_dim3A_87 : f32 to vector<2x8xf32>
    %slice3A_89 = vector.extract_strided_slice %add3A_81 {offsets = [0, 0], sizes = [2046, 8], strides = [1, 1]} : vector<2048x8xf32> to vector<2046x8xf32>
    %concatenate3A_90 = tpu.concatenate %broadcast_in_dim3A_88, %slice3A_89 in 0 : vector<2x8xf32>, vector<2046x8xf32> -> vector<2048x8xf32>
    %add3A_91 = arith.addf %add3A_81, %concatenate3A_90 : vector<2048x8xf32>
    %broadcast_in_dim3A_92 = arith.constant 0.000000e+00 : f32
    %broadcast_in_dim3A_93 = vector.broadcast %broadcast_in_dim3A_92 : f32 to vector<4x8xf32>
    %slice3A_94 = vector.extract_strided_slice %add3A_86 {offsets = [0, 0], sizes = [2044, 8], strides = [1, 1]} : vector<2048x8xf32> to vector<2044x8xf32>
    %concatenate3A_95 = tpu.concatenate %broadcast_in_dim3A_93, %slice3A_94 in 0 : vector<4x8xf32>, vector<2044x8xf32> -> vector<2048x8xf32>
    %add3A_96 = arith.addf %add3A_86, %concatenate3A_95 : vector<2048x8xf32>
    %broadcast_in_dim3A_97 = arith.constant 0.000000e+00 : f32
    %broadcast_in_dim3A_98 = vector.broadcast %broadcast_in_dim3A_97 : f32 to vector<4x8xf32>
    %slice3A_99 = vector.extract_strided_slice %add3A_91 {offsets = [0, 0], sizes = [2044, 8], strides = [1, 1]} : vector<2048x8xf32> to vector<2044x8xf32>
    %concatenate3A_100 = tpu.concatenate %broadcast_in_dim3A_98, %slice3A_99 in 0 : vector<4x8xf32>, vector<2044x8xf32> -> vector<2048x8xf32>
    %add3A_101 = arith.addf %add3A_91, %concatenate3A_100 : vector<2048x8xf32>
    %broadcast_in_dim3A_102 = arith.constant 0.000000e+00 : f32
    %broadcast_in_dim3A_103 = vector.broadcast %broadcast_in_dim3A_102 : f32 to vector<8x8xf32>
    %slice3A_104 = vector.extract_strided_slice %add3A_96 {offsets = [0, 0], sizes = [2040, 8], strides = [1, 1]} : vector<2048x8xf32> to vector<2040x8xf32>
    %concatenate3A_105 = tpu.concatenate %broadcast_in_dim3A_103, %slice3A_104 in 0 : vector<8x8xf32>, vector<2040x8xf32> -> vector<2048x8xf32>
    %add3A_106 = arith.addf %add3A_96, %concatenate3A_105 : vector<2048x8xf32>
    %broadcast_in_dim3A_107 = arith.constant 0.000000e+00 : f32
    %broadcast_in_dim3A_108 = vector.broadcast %broadcast_in_dim3A_107 : f32 to vector<8x8xf32>
    %slice3A_109 = vector.extract_strided_slice %add3A_101 {offsets = [0, 0], sizes = [2040, 8], strides = [1, 1]} : vector<2048x8xf32> to vector<2040x8xf32>
    %concatenate3A_110 = tpu.concatenate %broadcast_in_dim3A_108, %slice3A_109 in 0 : vector<8x8xf32>, vector<2040x8xf32> -> vector<2048x8xf32>
    %add3A_111 = arith.addf %add3A_101, %concatenate3A_110 : vector<2048x8xf32>
    %broadcast_in_dim3A_112 = arith.constant 0.000000e+00 : f32
    %broadcast_in_dim3A_113 = vector.broadcast %broadcast_in_dim3A_112 : f32 to vector<16x8xf32>
    %slice3A_114 = vector.extract_strided_slice %add3A_106 {offsets = [0, 0], sizes = [2032, 8], strides = [1, 1]} : vector<2048x8xf32> to vector<2032x8xf32>
    %concatenate3A_115 = tpu.concatenate %broadcast_in_dim3A_113, %slice3A_114 in 0 : vector<16x8xf32>, vector<2032x8xf32> -> vector<2048x8xf32>
    %add3A_116 = arith.addf %add3A_106, %concatenate3A_115 : vector<2048x8xf32>
    %broadcast_in_dim3A_117 = arith.constant 0.000000e+00 : f32
    %broadcast_in_dim3A_118 = vector.broadcast %broadcast_in_dim3A_117 : f32 to vector<16x8xf32>
    %slice3A_119 = vector.extract_strided_slice %add3A_111 {offsets = [0, 0], sizes = [2032, 8], strides = [1, 1]} : vector<2048x8xf32> to vector<2032x8xf32>
    %concatenate3A_120 = tpu.concatenate %broadcast_in_dim3A_118, %slice3A_119 in 0 : vector<16x8xf32>, vector<2032x8xf32> -> vector<2048x8xf32>
    %add3A_121 = arith.addf %add3A_111, %concatenate3A_120 : vector<2048x8xf32>
    %broadcast_in_dim3A_122 = arith.constant 0.000000e+00 : f32
    %broadcast_in_dim3A_123 = vector.broadcast %broadcast_in_dim3A_122 : f32 to vector<32x8xf32>
    %slice3A_124 = vector.extract_strided_slice %add3A_116 {offsets = [0, 0], sizes = [2016, 8], strides = [1, 1]} : vector<2048x8xf32> to vector<2016x8xf32>
    %concatenate3A_125 = tpu.concatenate %broadcast_in_dim3A_123, %slice3A_124 in 0 : vector<32x8xf32>, vector<2016x8xf32> -> vector<2048x8xf32>
    %add3A_126 = arith.addf %add3A_116, %concatenate3A_125 : vector<2048x8xf32>
    %broadcast_in_dim3A_127 = arith.constant 0.000000e+00 : f32
    %broadcast_in_dim3A_128 = vector.broadcast %broadcast_in_dim3A_127 : f32 to vector<32x8xf32>
    %slice3A_129 = vector.extract_strided_slice %add3A_121 {offsets = [0, 0], sizes = [2016, 8], strides = [1, 1]} : vector<2048x8xf32> to vector<2016x8xf32>
    %concatenate3A_130 = tpu.concatenate %broadcast_in_dim3A_128, %slice3A_129 in 0 : vector<32x8xf32>, vector<2016x8xf32> -> vector<2048x8xf32>
    %add3A_131 = arith.addf %add3A_121, %concatenate3A_130 : vector<2048x8xf32>
    %broadcast_in_dim3A_132 = arith.constant 0.000000e+00 : f32
    %broadcast_in_dim3A_133 = vector.broadcast %broadcast_in_dim3A_132 : f32 to vector<64x8xf32>
    %slice3A_134 = vector.extract_strided_slice %add3A_126 {offsets = [0, 0], sizes = [1984, 8], strides = [1, 1]} : vector<2048x8xf32> to vector<1984x8xf32>
    %concatenate3A_135 = tpu.concatenate %broadcast_in_dim3A_133, %slice3A_134 in 0 : vector<64x8xf32>, vector<1984x8xf32> -> vector<2048x8xf32>
    %add3A_136 = arith.addf %add3A_126, %concatenate3A_135 : vector<2048x8xf32>
    %broadcast_in_dim3A_137 = arith.constant 0.000000e+00 : f32
    %broadcast_in_dim3A_138 = vector.broadcast %broadcast_in_dim3A_137 : f32 to vector<64x8xf32>
    %slice3A_139 = vector.extract_strided_slice %add3A_131 {offsets = [0, 0], sizes = [1984, 8], strides = [1, 1]} : vector<2048x8xf32> to vector<1984x8xf32>
    %concatenate3A_140 = tpu.concatenate %broadcast_in_dim3A_138, %slice3A_139 in 0 : vector<64x8xf32>, vector<1984x8xf32> -> vector<2048x8xf32>
    %add3A_141 = arith.addf %add3A_131, %concatenate3A_140 : vector<2048x8xf32>
    %broadcast_in_dim3A_142 = arith.constant 0.000000e+00 : f32
    %broadcast_in_dim3A_143 = vector.broadcast %broadcast_in_dim3A_142 : f32 to vector<128x8xf32>
    %slice3A_144 = vector.extract_strided_slice %add3A_136 {offsets = [0, 0], sizes = [1920, 8], strides = [1, 1]} : vector<2048x8xf32> to vector<1920x8xf32>
    %concatenate3A_145 = tpu.concatenate %broadcast_in_dim3A_143, %slice3A_144 in 0 : vector<128x8xf32>, vector<1920x8xf32> -> vector<2048x8xf32>
    %add3A_146 = arith.addf %add3A_136, %concatenate3A_145 : vector<2048x8xf32>
    %broadcast_in_dim3A_147 = arith.constant 0.000000e+00 : f32
    %broadcast_in_dim3A_148 = vector.broadcast %broadcast_in_dim3A_147 : f32 to vector<128x8xf32>
    %slice3A_149 = vector.extract_strided_slice %add3A_141 {offsets = [0, 0], sizes = [1920, 8], strides = [1, 1]} : vector<2048x8xf32> to vector<1920x8xf32>
    %concatenate3A_150 = tpu.concatenate %broadcast_in_dim3A_148, %slice3A_149 in 0 : vector<128x8xf32>, vector<1920x8xf32> -> vector<2048x8xf32>
    %add3A_151 = arith.addf %add3A_141, %concatenate3A_150 : vector<2048x8xf32>
    %broadcast_in_dim3A_152 = arith.constant 0.000000e+00 : f32
    %broadcast_in_dim3A_153 = vector.broadcast %broadcast_in_dim3A_152 : f32 to vector<256x8xf32>
    %slice3A_154 = vector.extract_strided_slice %add3A_146 {offsets = [0, 0], sizes = [1792, 8], strides = [1, 1]} : vector<2048x8xf32> to vector<1792x8xf32>
    %concatenate3A_155 = tpu.concatenate %broadcast_in_dim3A_153, %slice3A_154 in 0 : vector<256x8xf32>, vector<1792x8xf32> -> vector<2048x8xf32>
    %add3A_156 = arith.addf %add3A_146, %concatenate3A_155 : vector<2048x8xf32>
    %broadcast_in_dim3A_157 = arith.constant 0.000000e+00 : f32
    %broadcast_in_dim3A_158 = vector.broadcast %broadcast_in_dim3A_157 : f32 to vector<256x8xf32>
    %slice3A_159 = vector.extract_strided_slice %add3A_151 {offsets = [0, 0], sizes = [1792, 8], strides = [1, 1]} : vector<2048x8xf32> to vector<1792x8xf32>
    %concatenate3A_160 = tpu.concatenate %broadcast_in_dim3A_158, %slice3A_159 in 0 : vector<256x8xf32>, vector<1792x8xf32> -> vector<2048x8xf32>
    %add3A_161 = arith.addf %add3A_151, %concatenate3A_160 : vector<2048x8xf32>
    %broadcast_in_dim3A_162 = arith.constant 0.000000e+00 : f32
    %broadcast_in_dim3A_163 = vector.broadcast %broadcast_in_dim3A_162 : f32 to vector<512x8xf32>
    %slice3A_164 = vector.extract_strided_slice %add3A_156 {offsets = [0, 0], sizes = [1536, 8], strides = [1, 1]} : vector<2048x8xf32> to vector<1536x8xf32>
    %concatenate3A_165 = tpu.concatenate %broadcast_in_dim3A_163, %slice3A_164 in 0 : vector<512x8xf32>, vector<1536x8xf32> -> vector<2048x8xf32>
    %add3A_166 = arith.addf %add3A_156, %concatenate3A_165 : vector<2048x8xf32>
    %broadcast_in_dim3A_167 = arith.constant 0.000000e+00 : f32
    %broadcast_in_dim3A_168 = vector.broadcast %broadcast_in_dim3A_167 : f32 to vector<512x8xf32>
    %slice3A_169 = vector.extract_strided_slice %add3A_161 {offsets = [0, 0], sizes = [1536, 8], strides = [1, 1]} : vector<2048x8xf32> to vector<1536x8xf32>
    %concatenate3A_170 = tpu.concatenate %broadcast_in_dim3A_168, %slice3A_169 in 0 : vector<512x8xf32>, vector<1536x8xf32> -> vector<2048x8xf32>
    %add3A_171 = arith.addf %add3A_161, %concatenate3A_170 : vector<2048x8xf32>
    %broadcast_in_dim3A_172 = arith.constant 0.000000e+00 : f32
    %broadcast_in_dim3A_173 = vector.broadcast %broadcast_in_dim3A_172 : f32 to vector<1024x8xf32>
    %slice3A_174 = vector.extract_strided_slice %add3A_166 {offsets = [0, 0], sizes = [1024, 8], strides = [1, 1]} : vector<2048x8xf32> to vector<1024x8xf32>
    %concatenate3A_175 = tpu.concatenate %broadcast_in_dim3A_173, %slice3A_174 in 0 : vector<1024x8xf32>, vector<1024x8xf32> -> vector<2048x8xf32>
    %add3A_176 = arith.addf %add3A_166, %concatenate3A_175 : vector<2048x8xf32>
    %broadcast_in_dim3A_177 = arith.constant 0.000000e+00 : f32
    %broadcast_in_dim3A_178 = vector.broadcast %broadcast_in_dim3A_177 : f32 to vector<1024x8xf32>
    %slice3A_179 = vector.extract_strided_slice %add3A_171 {offsets = [0, 0], sizes = [1024, 8], strides = [1, 1]} : vector<2048x8xf32> to vector<1024x8xf32>
    %concatenate3A_180 = tpu.concatenate %broadcast_in_dim3A_178, %slice3A_179 in 0 : vector<1024x8xf32>, vector<1024x8xf32> -> vector<2048x8xf32>
    %add3A_181 = arith.addf %add3A_171, %concatenate3A_180 : vector<2048x8xf32>
    %slice3A_182 = vector.extract_strided_slice %add3A_176 {offsets = [2047, 0], sizes = [1, 8], strides = [1, 1]} : vector<2048x8xf32> to vector<1x8xf32>
    %slice3A_183 = vector.extract_strided_slice %add3A_181 {offsets = [2047, 0], sizes = [1, 8], strides = [1, 1]} : vector<2048x8xf32> to vector<1x8xf32>
    %sub3A = arith.subf %add3A_176, %convert_element_type3A_71 : vector<2048x8xf32>
    %sub3A_184 = arith.subf %add3A_181, %convert_element_type3A_73 : vector<2048x8xf32>
    %add3A_185 = arith.addf %slice3A_182, %slice3A_183 : vector<1x8xf32>
    %convert_element_type3A_186 = arith.fptosi %add3A_185 : vector<1x8xf32> to vector<1x8xi32>
    %add3A_187 = arith.constant 256 : i32
    %add3A_188 = vector.broadcast %add3A_187 : i32 to vector<1x8xi32>
    %add3A_189 = arith.addi %convert_element_type3A_186, %add3A_188 : vector<1x8xi32>
    %sub3A_190 = arith.constant 1 : i32
    %sub3A_191 = vector.broadcast %sub3A_190 : i32 to vector<1x8xi32>
    %sub3A_192 = arith.subi %add3A_189, %sub3A_191 : vector<1x8xi32>
    %shift_right_arithmetic3A = arith.constant 8 : i32
    %shift_right_arithmetic3A_193 = vector.broadcast %shift_right_arithmetic3A : i32 to vector<1x8xi32>
    %shift_right_arithmetic3A_194 = arith.shrsi %sub3A_192, %shift_right_arithmetic3A_193 : vector<1x8xi32>
    %shift_left3A = arith.constant 8 : i32
    %shift_left3A_195 = vector.broadcast %shift_left3A : i32 to vector<1x8xi32>
    %shift_left3A_196 = arith.shli %shift_right_arithmetic3A_194, %shift_left3A_195 : vector<1x8xi32>
    %broadcast_in_dim3A_197 = arith.constant 0 : i32
    %broadcast_in_dim3A_198 = vector.broadcast %broadcast_in_dim3A_197 : i32 to vector<1x1xi32>
    %slice3A_199 = vector.extract_strided_slice %shift_left3A_196 {offsets = [0, 0], sizes = [1, 7], strides = [1, 1]} : vector<1x8xi32> to vector<1x7xi32>
    %concatenate3A_200 = tpu.concatenate %broadcast_in_dim3A_198, %slice3A_199 in 1 : vector<1x1xi32>, vector<1x7xi32> -> vector<1x8xi32>
    %add3A_201 = arith.addi %shift_left3A_196, %concatenate3A_200 : vector<1x8xi32>
    %broadcast_in_dim3A_202 = arith.constant 0 : i32
    %broadcast_in_dim3A_203 = vector.broadcast %broadcast_in_dim3A_202 : i32 to vector<1x2xi32>
    %slice3A_204 = vector.extract_strided_slice %add3A_201 {offsets = [0, 0], sizes = [1, 6], strides = [1, 1]} : vector<1x8xi32> to vector<1x6xi32>
    %concatenate3A_205 = tpu.concatenate %broadcast_in_dim3A_203, %slice3A_204 in 1 : vector<1x2xi32>, vector<1x6xi32> -> vector<1x8xi32>
    %add3A_206 = arith.addi %add3A_201, %concatenate3A_205 : vector<1x8xi32>
    %broadcast_in_dim3A_207 = arith.constant 0 : i32
    %broadcast_in_dim3A_208 = vector.broadcast %broadcast_in_dim3A_207 : i32 to vector<1x4xi32>
    %slice3A_209 = vector.extract_strided_slice %add3A_206 {offsets = [0, 0], sizes = [1, 4], strides = [1, 1]} : vector<1x8xi32> to vector<1x4xi32>
    %concatenate3A_210 = tpu.concatenate %broadcast_in_dim3A_208, %slice3A_209 in 1 : vector<1x4xi32>, vector<1x4xi32> -> vector<1x8xi32>
    %add3A_211 = arith.addi %add3A_206, %concatenate3A_210 : vector<1x8xi32>
    %sub3A_212 = arith.subi %add3A_211, %shift_left3A_196 : vector<1x8xi32>
    %convert_element_type3A_213 = arith.sitofp %sub3A_212 : vector<1x8xi32> to vector<1x8xf32>
    %add3A_214 = vector.broadcast %convert_element_type3A_213 : vector<1x8xf32> to vector<2048x8xf32>
    %add3A_215 = arith.addf %add3A_214, %sub3A : vector<2048x8xf32>
    %mul3A_216 = arith.mulf %convert_element_type3A_71, %add3A_215 : vector<2048x8xf32>
    %reduce_sum3A_217 = arith.constant dense<0.000000e+00> : vector<2048xf32>
    %reduce_sum3A_218 = vector.multi_reduction <add>, %mul3A_216, %reduce_sum3A_217 [1] : vector<2048x8xf32> to vector<2048xf32>
    %broadcast_in_dim3A_219 = vector.shape_cast %reduce_sum3A_218 : vector<2048xf32> to vector<2048x1xf32>
    %add3A_220 = arith.addf %convert_element_type3A_213, %slice3A_182 : vector<1x8xf32>
    %add3A_221 = vector.broadcast %add3A_220 : vector<1x8xf32> to vector<2048x8xf32>
    %add3A_222 = arith.addf %add3A_221, %sub3A_184 : vector<2048x8xf32>
    %mul3A_223 = arith.mulf %convert_element_type3A_73, %add3A_222 : vector<2048x8xf32>
    %reduce_sum3A_224 = arith.constant dense<0.000000e+00> : vector<2048xf32>
    %reduce_sum3A_225 = vector.multi_reduction <add>, %mul3A_223, %reduce_sum3A_224 [1] : vector<2048x8xf32> to vector<2048xf32>
    %broadcast_in_dim3A_226 = vector.shape_cast %reduce_sum3A_225 : vector<2048xf32> to vector<2048x1xf32>
    %convert_element_type3A_227 = arith.fptosi %broadcast_in_dim3A_219 : vector<2048x1xf32> to vector<2048x1xi32>
    %swap3A_228 = arith.constant 0 : index
    %swap3A_229 = arith.constant 0 : index
    %swap3A_230 = vector.load %arg3[%swap3A_228, %swap3A_229] : memref<2048x1xi32, #tpu.memory_space<vmem>>, vector<2048x1xi32>
    tpu.vector_store %arg3[%swap3A_228, %swap3A_229], %convert_element_type3A_227 {strides = array<i32>} : memref<2048x1xi32, #tpu.memory_space<vmem>>, vector<2048x1xi32>,
    %convert_element_type3A_231 = arith.fptosi %broadcast_in_dim3A_226 : vector<2048x1xf32> to vector<2048x1xi32>
    %swap3A_232 = arith.constant 0 : index
    %swap3A_233 = arith.constant 0 : index
    %swap3A_234 = vector.load %arg4[%swap3A_232, %swap3A_233] : memref<2048x1xi32, #tpu.memory_space<vmem>>, vector<2048x1xi32>
    tpu.vector_store %arg4[%swap3A_232, %swap3A_233], %convert_element_type3A_231 {strides = array<i32>} : memref<2048x1xi32, #tpu.memory_space<vmem>>, vector<2048x1xi32>,
    %iota3A_235 = tpu.iota {dimensions = array<i32: 0>} : vector<24x8xi32>
    %mul3A_236 = arith.constant 256 : i32
    %mul3A_237 = vector.broadcast %mul3A_236 : i32 to vector<24x8xi32>
    %mul3A_238 = arith.muli %iota3A_235, %mul3A_237 : vector<24x8xi32>
    %iota3A_239 = tpu.iota {dimensions = array<i32: 1>} : vector<24x8xi32>
    %le3A = vector.broadcast %sub3A_212 : vector<1x8xi32> to vector<24x8xi32>
    %le3A_240 = arith.cmpi sle, %le3A, %mul3A_238 : vector<24x8xi32>
    %add3A_241 = arith.addi %sub3A_212, %shift_left3A_196 : vector<1x8xi32>
    %lt3A = vector.broadcast %add3A_241 : vector<1x8xi32> to vector<24x8xi32>
    %lt3A_242 = arith.cmpi slt, %mul3A_238, %lt3A : vector<24x8xi32>
    %and3A = arith.andi %le3A_240, %lt3A_242 : vector<24x8xi1>
    %convert_element_type3A_243 = arith.extui %and3A : vector<24x8xi1> to vector<24x8xi32>
    %reduce_sum3A_244 = arith.constant dense<0> : vector<24xi32>
    %reduce_sum3A_245 = vector.multi_reduction <add>, %convert_element_type3A_243, %reduce_sum3A_244 [1] : vector<24x8xi32> to vector<24xi32>
    %broadcast_in_dim3A_246 = vector.shape_cast %reduce_sum3A_245 : vector<24xi32> to vector<24x1xi32>
    %jit3A_247 = arith.constant 0 : i32
    %broadcast_in_dim3A_248 = vector.broadcast %jit3A_247 : i32 to vector<24x8xi32>
    %select_n3A_249 = arith.select %and3A, %iota3A_239, %broadcast_in_dim3A_248 : vector<24x8xi1>, vector<24x8xi32>
    %reduce_sum3A_250 = arith.constant dense<0> : vector<24xi32>
    %reduce_sum3A_251 = vector.multi_reduction <add>, %select_n3A_249, %reduce_sum3A_250 [1] : vector<24x8xi32> to vector<24xi32>
    %broadcast_in_dim3A_252 = vector.shape_cast %reduce_sum3A_251 : vector<24xi32> to vector<24x1xi32>
    %sub3A_253 = arith.constant 1 : i32
    %sub3A_254 = vector.broadcast %sub3A_253 : i32 to vector<24x1xi32>
    %sub3A_255 = arith.subi %sub3A_254, %broadcast_in_dim3A_246 : vector<24x1xi32>
    %mul3A_256 = arith.constant 7 : i32
    %mul3A_257 = vector.broadcast %mul3A_256 : i32 to vector<24x1xi32>
    %mul3A_258 = arith.muli %mul3A_257, %sub3A_255 : vector<24x1xi32>
    %add3A_259 = arith.addi %broadcast_in_dim3A_252, %mul3A_258 : vector<24x1xi32>
    %swap3A_260 = arith.constant 0 : index
    %swap3A_261 = arith.constant 0 : index
    %swap3A_262 = vector.load %arg7[%swap3A_260, %swap3A_261] : memref<24x1xi32, #tpu.memory_space<vmem>>, vector<24x1xi32>
    tpu.vector_store %arg7[%swap3A_260, %swap3A_261], %add3A_259 {strides = array<i32>} : memref<24x1xi32, #tpu.memory_space<vmem>>, vector<24x1xi32>,
    %swap3A_263 = arith.constant 0 : index
    %swap3A_264 = arith.constant 0 : index
    %swap3A_265 = vector.load %arg8[%swap3A_263, %swap3A_264] : memref<24x1xi32, #tpu.memory_space<vmem>>, vector<24x1xi32>
    tpu.vector_store %arg8[%swap3A_263, %swap3A_264], %broadcast_in_dim3A_246 {strides = array<i32>} : memref<24x1xi32, #tpu.memory_space<vmem>>, vector<24x1xi32>,
    return
  }
}

module attributes {stable_mosaic.version = 14 : i64} {
  func.func @_k7_body(%arg0: i32, %arg1: memref<512x1024xf32, #tpu.memory_space<vmem>>, %arg2: memref<512x1024xf32, #tpu.memory_space<vmem>>, %arg3: memref<512x1024xf32, #tpu.memory_space<vmem>>, %arg4: memref<512x1024xf32, #tpu.memory_space<vmem>>) attributes {dimension_semantics = [#tpu.dimension_semantics<arbitrary>], iteration_bounds = array<i64: 4>, scalar_prefetch = 0 : i64, scratch_operands = 0 : i64, tpu.core_type = #tpu.core_type<tc>, window_params = [{transform_indices = @transform_0, window_bounds = array<i64: 512, 1024>}, {transform_indices = @transform_1, window_bounds = array<i64: 512, 1024>}, {transform_indices = @transform_2, window_bounds = array<i64: 512, 1024>}, {transform_indices = @transform_3, window_bounds = array<i64: 512, 1024>}]} {
    %get3A = arith.constant 0 : index
    %get3A_0 = arith.constant 0 : index
    %get3A_1 = vector.load %arg1[%get3A, %get3A_0] : memref<512x1024xf32, #tpu.memory_space<vmem>>, vector<512x1024xf32>
    %get3A_2 = arith.constant 0 : index
    %get3A_3 = arith.constant 0 : index
    %get3A_4 = vector.load %arg2[%get3A_2, %get3A_3] : memref<512x1024xf32, #tpu.memory_space<vmem>>, vector<512x1024xf32>
    %add3A = arith.addf %get3A_1, %get3A_4 : vector<512x1024xf32>
    %get3A_5 = arith.constant 0 : index
    %get3A_6 = arith.constant 0 : index
    %get3A_7 = vector.load %arg3[%get3A_5, %get3A_6] : memref<512x1024xf32, #tpu.memory_space<vmem>>, vector<512x1024xf32>
    %add3A_8 = arith.addf %add3A, %get3A_7 : vector<512x1024xf32>
    %swap3A = arith.constant 0 : index
    %swap3A_9 = arith.constant 0 : index
    %swap3A_10 = vector.load %arg4[%swap3A, %swap3A_9] : memref<512x1024xf32, #tpu.memory_space<vmem>>, vector<512x1024xf32>
    tpu.vector_store %arg4[%swap3A, %swap3A_9], %add3A_8 {strides = array<i32>} : memref<512x1024xf32, #tpu.memory_space<vmem>>, vector<512x1024xf32>,
    return
  }
  func.func @transform_0(%arg0: i32) -> (i32, i32) {
    %c0_i32 = arith.constant 0 : i32
    %c0_i32_0 = arith.constant 0 : i32
    return %arg0, %c0_i32 : i32, i32
  }
  func.func @transform_1(%arg0: i32) -> (i32, i32) {
    %c0_i32 = arith.constant 0 : i32
    %c0_i32_0 = arith.constant 0 : i32
    return %arg0, %c0_i32 : i32, i32
  }
  func.func @transform_2(%arg0: i32) -> (i32, i32) {
    %c0_i32 = arith.constant 0 : i32
    %c0_i32_0 = arith.constant 0 : i32
    return %arg0, %c0_i32 : i32, i32
  }
  func.func @transform_3(%arg0: i32) -> (i32, i32) {
    %c0_i32 = arith.constant 0 : i32
    %c0_i32_0 = arith.constant 0 : i32
    return %arg0, %c0_i32 : i32, i32
  }
}

</mosaic_0001>

<sc_bundles>
// kernel: kernel.11.cloned.1.call-start
scs
__scs_entry_jumppad:
0x0: {  	(pc) =	sbr.rel $0x88, $3  }
0x1: {  	(tag) =	ssettag $0x0;
	lr =	simm.s32 $0x1  }
0x2: {  	[smem:$0x3F98] =	sst lr;
	_ =	strace $0xD0000000  }
0x3: {  	_ = 	snop  }
0x4: {  	_ = 	snop  }
0x5: {  	_ = 	snop  }
0x6: {  	_ = 	snop  }
0x7: {  	_ = 	snop  }
__scs_overlays_trampoline_lowered:
0x8: {  	[smem:$0x3FA7] =	sst s0  }
0x9: {  	[smem:$0x3FA8] =	sst s1  }
0xa: {  	[smem:$0x3FA9] =	sst s2  }
0xb: {  	[smem:$0x3FAA] =	sst s3  }
0xc: {  	[smem:$0x3FAB] =	sst s4  }
0xd: {  	[smem:$0x3FAC] =	sst s5  }
0xe: {  	[smem:$0x3FAD] =	sst s6  }
0xf: {  	[smem:$0x3FAE] =	sst s7  }
0x10: {  	[smem:$0x3FAF] =	sst s8  }
0x11: {  	[smem:$0x3FB0] =	sst s9;
	s0 =	simm.s32 @!p0 $0x0  }
0x12: {  	s1 =	sld [smem:$0x3F96];
	s0 =	simm.s32 @p0 $0x1  }
0x13: {  	[smem:$0x3FB1] =	sst s0;
	s0 =	simm.s32 @!p1 $0x0  }
0x14: {  	s2 =	sld [smem:$0x3F95];
	s0 =	simm.s32 @p1 $0x1  }
0x15: {  	[smem:$0x3FB2] =	sst s0;
	s0 =	simm.s32 @!p2 $0x0  }
0x16: {  	s3 =	sld [smem:$0x3FDB];
	s0 =	simm.s32 @p2 $0x1  }
0x17: {  	s4 =	simm.s32 $0x1BF5;
	[smem:$0x3FB4] =	sst s0  }
0x18: {  	s0 =	sld [smem:$0x3F97];
	_ =	swait.ge [sflag:s4], $0x0  }
0x19: {  	s7 =	sld [smem:$0x3F98]  }
0x1a: {  	s8 =	sadd.s32 $0xFFFFE003, lr  }
0x1b: {  	s9 =	sadd.s32 $0xFFFFFEF7, lr;
	s5 =	simm.s32 $0xFFFFFFFF;
	p2 =	slt.u32 s8, $0xFFFFF086  }
0x1c: {  	p1 =	slt.u32 s9, $0xF7A;
	s5 =	simm.s32 @!p2 $0x0  }
0x1d: {  	s5 =	simm.s32 @p1 $0x1;
	p0 =	seq.s32 s7, s2  }
0x1e: {  	s7 =	smul.u32 @!p0 $0xF7A, s2;
	p2 =	seq.s32 @!p0 s5, $0x0  }
0x1f: {  	s9 =	smul.u32 $0xF7A, s1;
	s8 =	simm.s32 @!p0 $0x1BF5;
	p2 =	por !p2, p0  }
0x20: {  	[sflag:s8] =	ssyncset.s32 @!p0 $0xFFFFF086;
	s6 =	sadd.s32 @!p0 s3, s7;
	s7 =	simm.s32 @!p0 $0x108  }
0x21: {  	s3 =	sadd.s32 s3, s9;
	s6 =	sadd.s32 @!p0 $0x88, s6;
	s7 =	simm.s32 @p2 $0x1082  }
0x22: {  	[simem:s7], [sflag:s8] =	dma.local @!p0 [hbm:s6], $0xF7A  }
0x23: {  	s9 =	sor.u32 $0xD0000000, s2;
	s6 =	simm.s32 $0x108;
	_ =	swait.ge @!p0 [sflag:s8], $0x0  }
0x24: {  	s3 =	sadd.s32 $0x88, s3;
	s6 =	simm.s32 @!p1 $0x1082;
	[sflag:s4] =	ssyncset.s32 $0xFFFFF086  }
0x25: {  	[simem:s6], [sflag:s4] =	dma.local [hbm:s3], $0xF7A  }
0x26: {  	[smem:$0x3F98] =	sst s1;
	(tag) =	ssettag s2;
	_ =	strace s9  }
0x27: {  	s1 =	sld [smem:$0x3FA8]  }
0x28: {  	s2 =	sld [smem:$0x3FA9]  }
0x29: {  	s4 =	sld [smem:$0x3FAB]  }
0x2a: {  	p0 =	seq.s32 s5, $0x0;
	s5 =	sld [smem:$0x3FAC]  }
0x2b: {  	s6 =	sld [smem:$0x3FAD]  }
0x2c: {  	s7 =	sld [smem:$0x3FAE]  }
0x2d: {  	s3 =	simm.s32 $0x108;
	s8 =	sld [smem:$0x3FAF]  }
0x2e: {  	s3 =	simm.s32 @!p0 $0x1082;
	s9 =	sld [smem:$0x3FB0]  }
0x2f: {  	lr =	sadd.s32 s0, s3;
	s0 =	sld [smem:$0x3FA7]  }
0x30: {  	s3 =	sld [smem:$0x3FAA]  }
0x31: {  	[smem:$0x3FB3] =	sst s10  }
0x32: {  	s10 =	sld [smem:$0x3FB1];
	_ =	sdelay $0x3  }
0x33: {  	p0 =	seq.s32 s10, $0x1;
	s10 =	sld [smem:$0x3FB3];
	_ =	sdelay $0x3  }
0x34: {  	[smem:$0x3FB3] =	sst s10  }
0x35: {  	s10 =	sld [smem:$0x3FB2];
	_ =	sdelay $0x3  }
0x36: {  	p1 =	seq.s32 s10, $0x1;
	s10 =	sld [smem:$0x3FB3];
	_ =	sdelay $0x3  }
0x37: {  	[smem:$0x3FB3] =	sst s10  }
0x38: {  	s10 =	sld [smem:$0x3FB4]  }
0x39: {  	_ = 	snop;
	(pc) =	sbr.ind lr, $3  }
0x3a: {  	_ = 	snop  }
0x3b: {  	_ = 	snop  }
0x3c: {  	p2 =	seq.s32 s10, $0x1;
	s10 =	sld [smem:$0x3FB3]  }
0x3d: {  	_ =	shalt  }
0x3e: {  	_ =	shalt  }
0x3f: {  	_ =	shalt  }
0x40: {  	_ =	shalt  }
0x41: {  	_ =	shalt  }
0x42: {  	_ =	shalt  }
0x43: {  	_ =	shalt  }
0x44: {  	_ =	shalt  }
0x45: {  	_ =	shalt  }
0x46: {  	_ =	shalt  }
0x47: {  	_ =	shalt  }
0x48: {  	_ =	shalt  }
0x49: {  	_ =	shalt  }
0x4a: {  	_ =	shalt  }
0x4b: {  	_ =	shalt  }
0x4c: {  	_ =	shalt  }
0x4d: {  	_ =	shalt  }
0x4e: {  	_ =	shalt  }
0x4f: {  	_ =	shalt  }
0x50: {  	_ =	shalt  }
0x51: {  	_ =	shalt  }
0x52: {  	_ =	shalt  }
0x53: {  	_ =	shalt  }
0x54: {  	_ =	shalt  }
0x55: {  	_ =	shalt  }
0x56: {  	_ =	shalt  }
0x57: {  	_ =	shalt  }
0x58: {  	_ =	shalt  }
0x59: {  	_ =	shalt  }
0x5a: {  	_ =	shalt  }
0x5b: {  	_ =	shalt  }
0x5c: {  	_ =	shalt  }
0x5d: {  	_ =	shalt  }
0x5e: {  	_ =	shalt  }
0x5f: {  	_ =	shalt  }
0x60: {  	_ =	shalt  }
0x61: {  	_ =	shalt  }
0x62: {  	_ =	shalt  }
0x63: {  	_ =	shalt  }
0x64: {  	_ =	shalt  }
0x65: {  	_ =	shalt  }
0x66: {  	_ =	shalt  }
0x67: {  	_ =	shalt  }
0x68: {  	_ =	shalt  }
0x69: {  	_ =	shalt  }
0x6a: {  	_ =	shalt  }
0x6b: {  	_ =	shalt  }
0x6c: {  	_ =	shalt  }
0x6d: {  	_ =	shalt  }
0x6e: {  	_ =	shalt  }
0x6f: {  	_ =	shalt  }
0x70: {  	_ =	shalt  }
0x71: {  	_ =	shalt  }
0x72: {  	_ =	shalt  }
0x73: {  	_ =	shalt  }
0x74: {  	_ =	shalt  }
0x75: {  	_ =	shalt  }
0x76: {  	_ =	shalt  }
0x77: {  	_ =	shalt  }
0x78: {  	_ =	shalt  }
0x79: {  	_ =	shalt  }
0x7a: {  	_ =	shalt  }
0x7b: {  	_ =	shalt  }
0x7c: {  	_ =	shalt  }
0x7d: {  	_ =	shalt  }
0x7e: {  	_ =	shalt  }
0x7f: {  	_ =	shalt  }
0x80: {  	_ =	shalt  }
0x81: {  	_ =	shalt  }
0x82: {  	_ =	shalt  }
0x83: {  	_ =	shalt  }
0x84: {  	_ =	shalt  }
0x85: {  	_ =	shalt  }
0x86: {  	_ =	shalt  }
0x87: {  	_ =	shalt  }
.Lfunc_end0:
.L_simem_size_0:
called_computation.1_lowered:
.L_overlay_start_0:
0x88: {  	s2 =	sld [smem:$0x3FD9]  }
0x89: {  	s3 =	sld [smem:$0x3FFE];
	_ =	sdelay $0x1  }
0x8a: {  	s1 =	srdreg.scid  }
0x8b: {  	s0 =	sand.u32 $0x1, s1  }
0x8c: {  	s17 =	sshll.u32 s0, $0xA;
	s2 =	sadd.s32 s3, s2  }
0x8d: {  	s2 =	sadd.s32 s2, s17  }
0x8e: {  	[smem:$0x3FBF] =	sst s2  }
0x8f: {  	_ = 	snop  }
0x90: {  	s2 =	sld [smem:$0x3FD0];
	(tm) =	ssettm $0x1  }
0x91: {  	s18 =	sld [smem:$0x3FFB];
	_ =	sdelay $0x3  }
0x92: {  	_ =	strace s18  }
0x93: {  	s3 =	sld [smem:$0x3FFC];
	_ =	sdelay $0x3  }
0x94: {  	_ =	strace s3  }
0x95: {  	s3 =	sld [smem:$0x3FFD];
	_ =	sdelay $0x3  }
0x96: {  	_ =	strace s3  }
0x97: {  	_ =	strace $0x8FFFFFFF  }
0x98: {  	s19 =	sld [smem:$0x3FDB];
	_ =	sdelay $0x1  }
0x99: {  	s4 =	simm.s32 $_scs_section_size  }
0x9a: {  	s5 =	simm.s32 $_size__tile_overlayer_lowered;
	s6 =	simm.s32 $_tile_overlayer_lowered  }
0x9b: {  	s22 =	simm.s32 $0x1BFF;
	s21 =	sshll.u32 s6, $0x1;
	s3 =	sadd.s32 s4, s19  }
0x9c: {  	s7 =	simm.s32 $0x0;
	s20 =	sshll.u32 s5, $0x1;
	s5 =	sadd.s32 s21, s3  }
0x9d: {  	[timem:s7], [sflag:s22] =	dma.local [hbm:s5], s20  }
0x9e: {  	_ =	swait.ge [sflag:s22], s20  }
0x9f: {  	s4 =	ssub.s32 $0x0, s20;
	[sflag:s22] =	ssyncset.done $0x0  }
0xa0: {  	[sflag:s22] =	ssyncadd.s32 s4;
	_ =	sdelay $0x1  }
0xa1: {  	s23 =	simm.s32 $0x1B8B  }
0xa2: {  	_ =	swait.ge [sflag:s23], $0x1  }
0xa3: {  	[sflag:s23] =	ssyncset.done $0x0  }
0xa4: {  	s25 =	simm.s32 $0x1B8E;
	s24 =	sld [smem:$0x3FFE];
	[sflag:s23] =	ssyncadd.s32 $0xFFFFFFFF  }
0xa5: {  	s26 =	simm.s32 $execute0_lowered;
	[smem:$0x3FD2] =	sst s25  }
0xa6: {  	s5 =	sshll.u32 s26, $0x1;
	_ =	strace $0x80000049;
	[dreg:$0x1] =	wrdreg $0xFFFFFFFF  }
0xa7: {  	s28 =	simm.s32 $_size_execute0_lowered;
	s3 =	sadd.s32 s3, s5;
	[dreg:$0x0] =	wrdreg $0x0  }
0xa8: {  	s5 =	sshll.u32 s28, $0x1;
	[dreg:$0x2] =	wrdreg s3  }
0xa9: {  	[dreg:$0x3] =	wrdreg s5  }
0xaa: {  	[dreg:$0x4] =	wrdreg $0xC0  }
0xab: {  	_ =	task [dreg:s7], $0x5FFFF  }
0xac: {  	[dreg:$0x1] =	wrdreg $0xFFFFFFFF  }
0xad: {  	[dreg:$0x0] =	wrdreg $0x60  }
0xae: {  	[dreg:$0x2] =	wrdreg s24  }
0xaf: {  	[dreg:$0x3] =	wrdreg s2  }
0xb0: {  	[dreg:$0x4] =	wrdreg $0x9  }
0xb1: {  	_ =	task.clear_ibuf [dreg:s7], $0x5FFFF;
	_ =	strace $0x90000049  }
0xb2: {  	s29 =	simm.s32 $0x9;
	_ =	strace $0x8000004B  }
0xb3: {  	_ =	swait.ge [sflag:s29], $0x1  }
0xb4: {  	[sflag:s29] =	ssyncadd.s32 $0xFFFFFFFF  }
0xb5: {  	_ =	strace $0x9000004B  }
0xb6: {  	_ =	sfence  }
0xb7: {  	s30 =	sld [smem:$0x0];
	_ =	sdelay $0x2  }
0xb8: {  	s31 =	sshll.u32 s1, $0xD;
	s1 =	sshrl.u32 s1, $0x2  }
0xb9: {  	s3 =	sand.u32 $0x4000, s31;
	s1 =	sadd.s32 s1, s30  }
0xba: {  	s0 =	sor.u32 s3, s0;
	s1 =	sshll.u32 s1, $0x11  }
0xbb: {  	s0 =	sor.u32 s1, s0  }
0xbc: {  	s0 =	sadd.s32 $0x8F2B, s0  }
0xbd: {  	[sflag:s0] =	ssyncadd.remote.s32 $0x1  }
0xbe: {  	_ =	sfence.sel $0xFFFF  }
0xbf: {  	[dreg:$0x0] =	wrdreg $0xFFFFFFFF;
	(pc) =	sbr.abs _section_cstart, $3  }
0xc0: {  	[dreg:$0x1] =	wrdreg $0xFFFFFFFF  }
0xc1: {  	_ =	task.clear_ibuf [dreg:s7], $0x2FFFF;
	_ =	strace $0x9FFFFFFF  }
0xc2: {  	(tm) =	ssettm $0x7FFFFFFF  }
0xc3: {  	_ =	shalt  }
tec
execute0_lowered:
.L_overlay_start_1:
0x0: {  	(tag) =	ssettag $0x1  }
0x1: {  	s0 =	rddreg [dreg:$0x0]  }
0x2: {  	s1 =	rddreg [dreg:$0x1];
	s2 =	srdreg.scid  }
0x3: {  	s5 =	stileid.u32;
	s26 =	simm.s32 $0x80;
	s19 =	simm.s32 $0x2  }
0x4: {  	s28 =	simm.s32 $0x3100;
	s29 =	simm.s32 $0x3900;
	s30 =	simm.s32 $0x4100  }
0x5: {  	s31 =	simm.s32 $0x4900;
	s10 =	simm.s32 $0x6100;
	s11 =	simm.s32 $0x6900  }
0x6: {  	s12 =	simm.s32 $0x7100;
	s13 =	simm.s32 $0x7900;
	s18 =	simm.s32 $0x8100  }
0x7: {  	s14 =	simm.s32 $0x8900;
	s15 =	simm.s32 $0x9100;
	s16 =	simm.s32 $0x9900  }
0x8: {  	s17 =	simm.s32 $0xA100;
	s3 =	sand.u32 $0x1, s2;
	s2 =	simm.s32 $0x0  }
0x9: {  	s5 =	sshll.u32 s5, $0x6;
	s8 =	sadd.s32 $0x12400, s0;
	s4 =	sshll.u32 s3, $0xA  }
0xa: {  	[smem:$0x7FF] =	sst s2;
	s6 =	ssub.s32 $0x2, s3;
	s3 =	sadd.s32 $0xD2400, s0  }
0xb: {  	s4 =	sor.u32 s5, s4;
	_ =	strace $0x8000004A;
	s7 =	sshrl.u32 s6, $0x1  }
0xc: {  	[dreg:$0x9] =	wrdreg s26;
	s26 =	simm.s32 $0x2900;
	s5 =	sshrl.u32 s4, $0x3  }
0xd: {  	s7 =	ssub.s32 s6, s7;
	s22 =	sshll.u32 s4, $0x7;
	s4 =	sadd.s32 $0xD2500, s0  }
0xe: {  	s6 =	sadd.s32 $0xD2700, s0;
	s5 =	sadd.s32 s5, s0;
	s23 =	sadd.s32 s1, s22  }
0xf: {  	s9 =	sor.u32 $0x1000, s22;
	s24 =	sadd.s32 s8, s22;
	s7 =	smax.u32 s7, $0x1  }
0x10: {  	s22 =	simm.s32 $0x1100;
	s21 =	sadd.s32 $0x12000, s5;
	[dreg:$0x5] =	wrdreg s23  }
0x11: {  	s5 =	sadd.s32 $0x12200, s5;
	s1 =	sadd.s32 s1, s9;
	[dreg:$0x7] =	wrdreg s24  }
0x12: {  	s25 =	sadd.s32 s8, s9;
	s8 =	simm.s32 $0x3;
	[dreg:$0x3] =	wrdreg s21  }
0x13: {  	v2 =	vlaneseq.u32;
	s9 =	simm.s32 $0x1;
	s23 =	simm.s32 $0x1900;
	[dreg:$0x4] =	wrdreg s5  }
0x14: {  	vm0 =	vmmov $0xffff;
	v1 =	vshrl.u32 v2, $0x3;
	s24 =	simm.s32 $0x2100;
	s5 =	sadd.s32 $0xD2600, s0;
	[dreg:$0x6] =	wrdreg s1  }
0x15: {  	v0 =	vand.u32 $0x7, v2;
	v2 =	vor.u32 $0x8, v2;
	v1 =	vmul.u32 $0x8, v1;
	[dreg:$0x8] =	wrdreg s25;
	s25 =	simm.s32 $0x100;
	s1 =	simm.s32 $0x5900  }
.LBB2_1:
0x16: {  	s20 =	rddreg [dreg:$0x3]  }
0x17: {  	[tilespmem:s2], [sflag:$0x3] =	stream.linear.gather [hbm4b:s20+s2], $0x40, $0x38;
	[tilespmem:$0x10100] =	vst v63  }
0x18: {  	_ =	swait.ge [sflag:s8], $0x40  }
0x19: {  	s0 =	rddreg [dreg:$0x4];
	[sflag:s8] =	ssyncset.done $0x0  }
0x1a: {  	s21 =	rddreg [dreg:$0x9];
	[sflag:s8] =	ssyncadd.s32 $0xFFFFFFC0  }
0x1b: {  	[tilespmem:s21], [sflag:$0x3] =	stream.linear.gather [hbm4b:s0+s2], $0x40, $0x38;
	[tilespmem:$0x10100] =	vst v63  }
0x1c: {  	_ =	swait.ge [sflag:s8], $0x40  }
0x1d: {  	[sflag:s8] =	ssyncset.done $0x0  }
0x1e: {  	[sflag:s8] =	ssyncadd.s32 $0xFFFFFFC0  }
0x1f: {  	v3 =	vld [tilespmem:$0x0];
	_ =	sdelay $0x4  }
0x20: {  	v4 =	vshll.u32 v3, $0x3  }
0x21: {  	v3 =	vand.u32 $0x7, v3;
	v4 =	vand.u32 $0xFFFFFFC0, v4  }
0x22: {  	v3 =	vor.u32 v3, v4  }
0x23: {  	v4 =	vperm.xlane v3, v0;
	_ =	sdelay $0x1  }
0x24: {  	v4 =	vadd.s32 v1, v4;
	_ =	sdelay $0x4  }
0x25: {  	[tilespmem:s25], [sflag:$0x1] =	stream.indirect_vreg.gather [hbm4b:s3+s2], $0x80, v4, vm0, $0xb8;
	[tilespmem:$0x10100] =	vst v63  }
0x26: {  	s21 =	simm.s32 $0x900;
	v3 =	vperm.xlane v3, v2  }
0x27: {  	[tilespmem:s21], [sflag:$0x1] =	stream.indirect_vreg.gather [hbm4b:s4+s2], $0x80, v4, vm0, $0xb8;
	[tilespmem:$0x10100] =	vst v63  }
0x28: {  	v3 =	vadd.s32 v1, v3  }
0x29: {  	[tilespmem:s22], [sflag:$0x1] =	stream.indirect_vreg.gather [hbm4b:s5+s2], $0x80, v4, vm0, $0xb8;
	[tilespmem:$0x10100] =	vst v63  }
0x2a: {  	_ = 	snop  }
0x2b: {  	[tilespmem:s23], [sflag:$0x1] =	stream.indirect_vreg.gather [hbm4b:s6+s2], $0x80, v4, vm0, $0xb8;
	[tilespmem:$0x10100] =	vst v63  }
0x2c: {  	_ = 	snop  }
0x2d: {  	[tilespmem:s24], [sflag:$0x1] =	stream.indirect_vreg.gather [hbm4b:s3+s2], $0x80, v3, vm0, $0xb8;
	[tilespmem:$0x10100] =	vst v63  }
0x2e: {  	_ = 	snop  }
0x2f: {  	[tilespmem:s26], [sflag:$0x1] =	stream.indirect_vreg.gather [hbm4b:s4+s2], $0x80, v3, vm0, $0xb8;
	[tilespmem:$0x10100] =	vst v63  }
0x30: {  	_ = 	snop  }
0x31: {  	[tilespmem:s28], [sflag:$0x1] =	stream.indirect_vreg.gather [hbm4b:s5+s2], $0x80, v3, vm0, $0xb8;
	[tilespmem:$0x10100] =	vst v63  }
0x32: {  	_ = 	snop  }
0x33: {  	[tilespmem:s29], [sflag:$0x1] =	stream.indirect_vreg.gather [hbm4b:s6+s2], $0x80, v3, vm0, $0xb8;
	[tilespmem:$0x10100] =	vst v63  }
0x34: {  	v3 =	vld [tilespmem:$0x10];
	_ =	sdelay $0x4  }
0x35: {  	v57 =	vshll.u32 v3, $0x3  }
0x36: {  	v3 =	vand.u32 $0x7, v3;
	v4 =	vand.u32 $0xFFFFFFC0, v57  }
0x37: {  	v3 =	vor.u32 v3, v4  }
0x38: {  	v4 =	vperm.xlane v3, v0;
	_ =	sdelay $0x1  }
0x39: {  	v4 =	vadd.s32 v1, v4;
	_ =	sdelay $0x4  }
0x3a: {  	[tilespmem:s30], [sflag:$0x1] =	stream.indirect_vreg.gather [hbm4b:s3+s2], $0x80, v4, vm0, $0xb8;
	[tilespmem:$0x10100] =	vst v63  }
0x3b: {  	v3 =	vperm.xlane v3, v2  }
0x3c: {  	[tilespmem:s31], [sflag:$0x1] =	stream.indirect_vreg.gather [hbm4b:s4+s2], $0x80, v4, vm0, $0xb8;
	[tilespmem:$0x10100] =	vst v63  }
0x3d: {  	s0 =	simm.s32 $0x5100;
	v3 =	vadd.s32 v1, v3  }
0x3e: {  	[tilespmem:s0], [sflag:$0x1] =	stream.indirect_vreg.gather [hbm4b:s5+s2], $0x80, v4, vm0, $0xb8;
	[tilespmem:$0x10100] =	vst v63  }
0x3f: {  	_ = 	snop  }
0x40: {  	[tilespmem:s1], [sflag:$0x1] =	stream.indirect_vreg.gather [hbm4b:s6+s2], $0x80, v4, vm0, $0xb8;
	[tilespmem:$0x10100] =	vst v63  }
0x41: {  	_ = 	snop  }
0x42: {  	[tilespmem:s10], [sflag:$0x1] =	stream.indirect_vreg.gather [hbm4b:s3+s2], $0x80, v3, vm0, $0xb8;
	[tilespmem:$0x10100] =	vst v63  }
0x43: {  	_ = 	snop  }
0x44: {  	[tilespmem:s11], [sflag:$0x1] =	stream.indirect_vreg.gather [hbm4b:s4+s2], $0x80, v3, vm0, $0xb8;
	[tilespmem:$0x10100] =	vst v63  }
0x45: {  	_ = 	snop  }
0x46: {  	[tilespmem:s12], [sflag:$0x1] =	stream.indirect_vreg.gather [hbm4b:s5+s2], $0x80, v3, vm0, $0xb8;
	[tilespmem:$0x10100] =	vst v63  }
0x47: {  	_ = 	snop  }
0x48: {  	[tilespmem:s13], [sflag:$0x1] =	stream.indirect_vreg.gather [hbm4b:s6+s2], $0x80, v3, vm0, $0xb8;
	[tilespmem:$0x10100] =	vst v63  }
0x49: {  	v3 =	vld [tilespmem:$0x20];
	_ =	sdelay $0x4  }
0x4a: {  	v58 =	vshll.u32 v3, $0x3  }
0x4b: {  	v3 =	vand.u32 $0x7, v3;
	v4 =	vand.u32 $0xFFFFFFC0, v58  }
0x4c: {  	v3 =	vor.u32 v3, v4  }
0x4d: {  	v4 =	vperm.xlane v3, v0;
	_ =	sdelay $0x1  }
0x4e: {  	v4 =	vadd.s32 v1, v4;
	_ =	sdelay $0x4  }
0x4f: {  	[tilespmem:s18], [sflag:$0x2] =	stream.indirect_vreg.gather [hbm4b:s3+s2], $0x80, v4, vm0, $0xb8;
	[tilespmem:$0x10100] =	vst v63  }
0x50: {  	v3 =	vperm.xlane v3, v2  }
0x51: {  	[tilespmem:s14], [sflag:$0x2] =	stream.indirect_vreg.gather [hbm4b:s4+s2], $0x80, v4, vm0, $0xb8;
	[tilespmem:$0x10100] =	vst v63  }
0x52: {  	v3 =	vadd.s32 v1, v3  }
0x53: {  	[tilespmem:s15], [sflag:$0x2] =	stream.indirect_vreg.gather [hbm4b:s5+s2], $0x80, v4, vm0, $0xb8;
	[tilespmem:$0x10100] =	vst v63  }
0x54: {  	_ = 	snop  }
0x55: {  	[tilespmem:s16], [sflag:$0x2] =	stream.indirect_vreg.gather [hbm4b:s6+s2], $0x80, v4, vm0, $0xb8;
	[tilespmem:$0x10100] =	vst v63  }
0x56: {  	_ = 	snop  }
0x57: {  	[tilespmem:s17], [sflag:$0x2] =	stream.indirect_vreg.gather [hbm4b:s3+s2], $0x80, v3, vm0, $0xb8;
	[tilespmem:$0x10100] =	vst v63  }
0x58: {  	s20 =	simm.s32 $0xA900  }
0x59: {  	[tilespmem:s20], [sflag:$0x2] =	stream.indirect_vreg.gather [hbm4b:s4+s2], $0x80, v3, vm0, $0xb8;
	[tilespmem:$0x10100] =	vst v63  }
0x5a: {  	s20 =	simm.s32 $0xB100  }
0x5b: {  	[tilespmem:s20], [sflag:$0x2] =	stream.indirect_vreg.gather [hbm4b:s5+s2], $0x80, v3, vm0, $0xb8;
	[tilespmem:$0x10100] =	vst v63  }
0x5c: {  	s20 =	simm.s32 $0xB900  }
0x5d: {  	[tilespmem:s20], [sflag:$0x2] =	stream.indirect_vreg.gather [hbm4b:s6+s2], $0x80, v3, vm0, $0xb8;
	[tilespmem:$0x10100] =	vst v63  }
0x5e: {  	v3 =	vld [tilespmem:$0x30];
	_ =	sdelay $0x4  }
0x5f: {  	v59 =	vshll.u32 v3, $0x3  }
0x60: {  	v3 =	vand.u32 $0x7, v3;
	v4 =	vand.u32 $0xFFFFFFC0, v59  }
0x61: {  	v3 =	vor.u32 v3, v4  }
0x62: {  	v4 =	vperm.xlane v3, v0;
	_ =	sdelay $0x1  }
0x63: {  	v4 =	vadd.s32 v1, v4;
	_ =	sdelay $0x3  }
0x64: {  	s20 =	simm.s32 $0xC100  }
0x65: {  	[tilespmem:s20], [sflag:$0x2] =	stream.indirect_vreg.gather [hbm4b:s3+s2], $0x80, v4, vm0, $0xb8;
	[tilespmem:$0x10100] =	vst v63  }
0x66: {  	v3 =	vperm.xlane v3, v2;
	s20 =	simm.s32 $0xC900  }
0x67: {  	[tilespmem:s20], [sflag:$0x2] =	stream.indirect_vreg.gather [hbm4b:s4+s2], $0x80, v4, vm0, $0xb8;
	[tilespmem:$0x10100] =	vst v63  }
0x68: {  	v3 =	vadd.s32 v1, v3;
	s20 =	simm.s32 $0xD100  }
0x69: {  	[tilespmem:s20], [sflag:$0x2] =	stream.indirect_vreg.gather [hbm4b:s5+s2], $0x80, v4, vm0, $0xb8;
	[tilespmem:$0x10100] =	vst v63  }
0x6a: {  	s20 =	simm.s32 $0xD900  }
0x6b: {  	[tilespmem:s20], [sflag:$0x2] =	stream.indirect_vreg.gather [hbm4b:s6+s2], $0x80, v4, vm0, $0xb8;
	[tilespmem:$0x10100] =	vst v63  }
0x6c: {  	s20 =	simm.s32 $0xE100  }
0x6d: {  	[tilespmem:s20], [sflag:$0x2] =	stream.indirect_vreg.gather [hbm4b:s3+s2], $0x80, v3, vm0, $0xb8;
	[tilespmem:$0x10100] =	vst v63  }
0x6e: {  	s20 =	simm.s32 $0xE900  }
0x6f: {  	[tilespmem:s20], [sflag:$0x2] =	stream.indirect_vreg.gather [hbm4b:s4+s2], $0x80, v3, vm0, $0xb8;
	[tilespmem:$0x10100] =	vst v63  }
0x70: {  	s20 =	simm.s32 $0xF100  }
0x71: {  	[tilespmem:s20], [sflag:$0x2] =	stream.indirect_vreg.gather [hbm4b:s5+s2], $0x80, v3, vm0, $0xb8;
	[tilespmem:$0x10100] =	vst v63  }
0x72: {  	s20 =	simm.s32 $0xF900  }
0x73: {  	[tilespmem:s20], [sflag:$0x2] =	stream.indirect_vreg.gather [hbm4b:s6+s2], $0x80, v3, vm0, $0xb8;
	[tilespmem:$0x10100] =	vst v63  }
0x74: {  	_ =	swait.ge [sflag:s9], $0x8000  }
0x75: {  	[sflag:s9] =	ssyncset.done $0x0  }
0x76: {  	s20 =	rddreg [dreg:$0x5];
	[sflag:s9] =	ssyncadd.s32 $0xFFFF8000  }
0x77: {  	[hbm4b:s20+s2] =	stream.linear.scatter [tilespmem:s25], [sflag:$0x3], $0x8000, $0x38;
	[tilespmem:$0x10100] =	vst v63  }
0x78: {  	_ =	swait.ge [sflag:s8], $0x8000  }
0x79: {  	[sflag:s8] =	ssyncset.done $0x0  }
0x7a: {  	[sflag:s8] =	ssyncadd.s32 $0xFFFF8000  }
0x7b: {  	v3 =	vld [tilespmem:$0x80];
	_ =	sdelay $0x4  }
0x7c: {  	v60 =	vshll.u32 v3, $0x3  }
0x7d: {  	v3 =	vand.u32 $0x7, v3;
	v4 =	vand.u32 $0xFFFFFFC0, v60  }
0x7e: {  	v3 =	vor.u32 v3, v4  }
0x7f: {  	v4 =	vperm.xlane v3, v0;
	_ =	sdelay $0x1  }
0x80: {  	v4 =	vadd.s32 v1, v4;
	_ =	sdelay $0x4  }
0x81: {  	[tilespmem:s25], [sflag:$0x1] =	stream.indirect_vreg.gather [hbm4b:s3+s2], $0x80, v4, vm0, $0xb8;
	[tilespmem:$0x10100] =	vst v63  }
0x82: {  	v3 =	vperm.xlane v3, v2  }
0x83: {  	[tilespmem:s21], [sflag:$0x1] =	stream.indirect_vreg.gather [hbm4b:s4+s2], $0x80, v4, vm0, $0xb8;
	[tilespmem:$0x10100] =	vst v63  }
0x84: {  	v3 =	vadd.s32 v1, v3  }
0x85: {  	[tilespmem:s22], [sflag:$0x1] =	stream.indirect_vreg.gather [hbm4b:s5+s2], $0x80, v4, vm0, $0xb8;
	[tilespmem:$0x10100] =	vst v63  }
0x86: {  	_ = 	snop  }
0x87: {  	[tilespmem:s23], [sflag:$0x1] =	stream.indirect_vreg.gather [hbm4b:s6+s2], $0x80, v4, vm0, $0xb8;
	[tilespmem:$0x10100] =	vst v63  }
0x88: {  	_ = 	snop  }
0x89: {  	[tilespmem:s24], [sflag:$0x1] =	stream.indirect_vreg.gather [hbm4b:s3+s2], $0x80, v3, vm0, $0xb8;
	[tilespmem:$0x10100] =	vst v63  }
0x8a: {  	_ = 	snop  }
0x8b: {  	[tilespmem:s26], [sflag:$0x1] =	stream.indirect_vreg.gather [hbm4b:s4+s2], $0x80, v3, vm0, $0xb8;
	[tilespmem:$0x10100] =	vst v63  }
0x8c: {  	_ = 	snop  }
0x8d: {  	[tilespmem:s28], [sflag:$0x1] =	stream.indirect_vreg.gather [hbm4b:s5+s2], $0x80, v3, vm0, $0xb8;
	[tilespmem:$0x10100] =	vst v63  }
0x8e: {  	_ = 	snop  }
0x8f: {  	[tilespmem:s29], [sflag:$0x1] =	stream.indirect_vreg.gather [hbm4b:s6+s2], $0x80, v3, vm0, $0xb8;
	[tilespmem:$0x10100] =	vst v63  }
0x90: {  	v3 =	vld [tilespmem:$0x90];
	_ =	sdelay $0x4  }
0x91: {  	v61 =	vshll.u32 v3, $0x3  }
0x92: {  	v3 =	vand.u32 $0x7, v3;
	v4 =	vand.u32 $0xFFFFFFC0, v61  }
0x93: {  	v3 =	vor.u32 v3, v4  }
0x94: {  	v4 =	vperm.xlane v3, v0;
	_ =	sdelay $0x1  }
0x95: {  	v4 =	vadd.s32 v1, v4;
	_ =	sdelay $0x4  }
0x96: {  	[tilespmem:s30], [sflag:$0x1] =	stream.indirect_vreg.gather [hbm4b:s3+s2], $0x80, v4, vm0, $0xb8;
	[tilespmem:$0x10100] =	vst v63  }
0x97: {  	v3 =	vperm.xlane v3, v2  }
0x98: {  	[tilespmem:s31], [sflag:$0x1] =	stream.indirect_vreg.gather [hbm4b:s4+s2], $0x80, v4, vm0, $0xb8;
	[tilespmem:$0x10100] =	vst v63  }
0x99: {  	v3 =	vadd.s32 v1, v3  }
0x9a: {  	[tilespmem:s0], [sflag:$0x1] =	stream.indirect_vreg.gather [hbm4b:s5+s2], $0x80, v4, vm0, $0xb8;
	[tilespmem:$0x10100] =	vst v63  }
0x9b: {  	_ = 	snop  }
0x9c: {  	[tilespmem:s1], [sflag:$0x1] =	stream.indirect_vreg.gather [hbm4b:s6+s2], $0x80, v4, vm0, $0xb8;
	[tilespmem:$0x10100] =	vst v63  }
0x9d: {  	_ = 	snop  }
0x9e: {  	[tilespmem:s10], [sflag:$0x1] =	stream.indirect_vreg.gather [hbm4b:s3+s2], $0x80, v3, vm0, $0xb8;
	[tilespmem:$0x10100] =	vst v63  }
0x9f: {  	_ = 	snop  }
0xa0: {  	[tilespmem:s11], [sflag:$0x1] =	stream.indirect_vreg.gather [hbm4b:s4+s2], $0x80, v3, vm0, $0xb8;
	[tilespmem:$0x10100] =	vst v63  }
0xa1: {  	_ = 	snop  }
0xa2: {  	[tilespmem:s12], [sflag:$0x1] =	stream.indirect_vreg.gather [hbm4b:s5+s2], $0x80, v3, vm0, $0xb8;
	[tilespmem:$0x10100] =	vst v63  }
0xa3: {  	_ = 	snop  }
0xa4: {  	[tilespmem:s13], [sflag:$0x1] =	stream.indirect_vreg.gather [hbm4b:s6+s2], $0x80, v3, vm0, $0xb8;
	[tilespmem:$0x10100] =	vst v63  }
0xa5: {  	_ =	swait.ge [sflag:s19], $0x8000  }
0xa6: {  	[sflag:s19] =	ssyncset.done $0x0  }
0xa7: {  	s0 =	rddreg [dreg:$0x6];
	[sflag:s19] =	ssyncadd.s32 $0xFFFF8000  }
0xa8: {  	[hbm4b:s0+s2] =	stream.linear.scatter [tilespmem:s18], [sflag:$0x3], $0x8000, $0x38;
	[tilespmem:$0x10100] =	vst v63  }
0xa9: {  	_ =	swait.ge [sflag:s8], $0x8000  }
0xaa: {  	[sflag:s8] =	ssyncset.done $0x0  }
0xab: {  	[sflag:s8] =	ssyncadd.s32 $0xFFFF8000  }
0xac: {  	v3 =	vld [tilespmem:$0xA0];
	_ =	sdelay $0x4  }
0xad: {  	v62 =	vshll.u32 v3, $0x3  }
0xae: {  	v3 =	vand.u32 $0x7, v3;
	v4 =	vand.u32 $0xFFFFFFC0, v62  }
0xaf: {  	v3 =	vor.u32 v3, v4  }
0xb0: {  	v4 =	vperm.xlane v3, v0;
	_ =	sdelay $0x1  }
0xb1: {  	v4 =	vadd.s32 v1, v4;
	_ =	sdelay $0x4  }
0xb2: {  	[tilespmem:s18], [sflag:$0x2] =	stream.indirect_vreg.gather [hbm4b:s3+s2], $0x80, v4, vm0, $0xb8;
	[tilespmem:$0x10100] =	vst v63  }
0xb3: {  	v3 =	vperm.xlane v3, v2  }
0xb4: {  	[tilespmem:s14], [sflag:$0x2] =	stream.indirect_vreg.gather [hbm4b:s4+s2], $0x80, v4, vm0, $0xb8;
	[tilespmem:$0x10100] =	vst v63  }
0xb5: {  	v3 =	vadd.s32 v1, v3  }
0xb6: {  	[tilespmem:s15], [sflag:$0x2] =	stream.indirect_vreg.gather [hbm4b:s5+s2], $0x80, v4, vm0, $0xb8;
	[tilespmem:$0x10100] =	vst v63  }
0xb7: {  	_ = 	snop  }
0xb8: {  	[tilespmem:s16], [sflag:$0x2] =	stream.indirect_vreg.gather [hbm4b:s6+s2], $0x80, v4, vm0, $0xb8;
	[tilespmem:$0x10100] =	vst v63  }
0xb9: {  	_ = 	snop  }
0xba: {  	[tilespmem:s17], [sflag:$0x2] =	stream.indirect_vreg.gather [hbm4b:s3+s2], $0x80, v3, vm0, $0xb8;
	[tilespmem:$0x10100] =	vst v63  }
0xbb: {  	s21 =	simm.s32 $0xA900  }
0xbc: {  	[tilespmem:s21], [sflag:$0x2] =	stream.indirect_vreg.gather [hbm4b:s4+s2], $0x80, v3, vm0, $0xb8;
	[tilespmem:$0x10100] =	vst v63  }
0xbd: {  	s20 =	simm.s32 $0xB100  }
0xbe: {  	[tilespmem:s20], [sflag:$0x2] =	stream.indirect_vreg.gather [hbm4b:s5+s2], $0x80, v3, vm0, $0xb8;
	[tilespmem:$0x10100] =	vst v63  }
0xbf: {  	s21 =	simm.s32 $0xB900  }
0xc0: {  	[tilespmem:s21], [sflag:$0x2] =	stream.indirect_vreg.gather [hbm4b:s6+s2], $0x80, v3, vm0, $0xb8;
	[tilespmem:$0x10100] =	vst v63  }
0xc1: {  	v3 =	vld [tilespmem:$0xB0];
	_ =	sdelay $0x4  }
0xc2: {  	v63 =	vshll.u32 v3, $0x3  }
0xc3: {  	v3 =	vand.u32 $0x7, v3;
	v4 =	vand.u32 $0xFFFFFFC0, v63  }
0xc4: {  	v3 =	vor.u32 v3, v4  }
0xc5: {  	v4 =	vperm.xlane v3, v0;
	_ =	sdelay $0x1  }
0xc6: {  	v4 =	vadd.s32 v1, v4;
	_ =	sdelay $0x3  }
0xc7: {  	s20 =	simm.s32 $0xC100  }
0xc8: {  	[tilespmem:s20], [sflag:$0x2] =	stream.indirect_vreg.gather [hbm4b:s3+s2], $0x80, v4, vm0, $0xb8;
	[tilespmem:$0x10100] =	vst v63  }
0xc9: {  	s21 =	simm.s32 $0xC900;
	v3 =	vperm.xlane v3, v2  }
0xca: {  	[tilespmem:s21], [sflag:$0x2] =	stream.indirect_vreg.gather [hbm4b:s4+s2], $0x80, v4, vm0, $0xb8;
	[tilespmem:$0x10100] =	vst v63  }
0xcb: {  	v3 =	vadd.s32 v1, v3;
	s20 =	simm.s32 $0xD100  }
0xcc: {  	[tilespmem:s20], [sflag:$0x2] =	stream.indirect_vreg.gather [hbm4b:s5+s2], $0x80, v4, vm0, $0xb8;
	[tilespmem:$0x10100] =	vst v63  }
0xcd: {  	s21 =	simm.s32 $0xD900  }
0xce: {  	[tilespmem:s21], [sflag:$0x2] =	stream.indirect_vreg.gather [hbm4b:s6+s2], $0x80, v4, vm0, $0xb8;
	[tilespmem:$0x10100] =	vst v63  }
0xcf: {  	s20 =	simm.s32 $0xE100  }
0xd0: {  	[tilespmem:s20], [sflag:$0x2] =	stream.indirect_vreg.gather [hbm4b:s3+s2], $0x80, v3, vm0, $0xb8;
	[tilespmem:$0x10100] =	vst v63  }
0xd1: {  	s21 =	simm.s32 $0xE900  }
0xd2: {  	[tilespmem:s21], [sflag:$0x2] =	stream.indirect_vreg.gather [hbm4b:s4+s2], $0x80, v3, vm0, $0xb8;
	[tilespmem:$0x10100] =	vst v63  }
0xd3: {  	s20 =	simm.s32 $0xF100  }
0xd4: {  	[tilespmem:s20], [sflag:$0x2] =	stream.indirect_vreg.gather [hbm4b:s5+s2], $0x80, v3, vm0, $0xb8;
	[tilespmem:$0x10100] =	vst v63  }
0xd5: {  	s21 =	simm.s32 $0xF900  }
0xd6: {  	[tilespmem:s21], [sflag:$0x2] =	stream.indirect_vreg.gather [hbm4b:s6+s2], $0x80, v3, vm0, $0xb8;
	[tilespmem:$0x10100] =	vst v63  }
0xd7: {  	_ =	swait.ge [sflag:s9], $0x8000  }
0xd8: {  	[sflag:s9] =	ssyncset.done $0x0  }
0xd9: {  	s0 =	rddreg [dreg:$0x7];
	[sflag:s9] =	ssyncadd.s32 $0xFFFF8000  }
0xda: {  	[hbm4b:s0+s2] =	stream.linear.scatter [tilespmem:s25], [sflag:$0x3], $0x8000, $0x38;
	[tilespmem:$0x10100] =	vst v63  }
0xdb: {  	_ =	swait.ge [sflag:s8], $0x8000  }
0xdc: {  	[sflag:s8] =	ssyncset.done $0x0  }
0xdd: {  	[sflag:s8] =	ssyncadd.s32 $0xFFFF8000  }
0xde: {  	_ =	swait.ge [sflag:s19], $0x8000  }
0xdf: {  	p0 =	sne.s32 s7, $0x1;
	[sflag:s19] =	ssyncset.done $0x0  }
.Ltmp0:
0xe0: {  	s21 =	rddreg [dreg:$0x8];
	[sflag:s19] =	ssyncadd.s32 $0xFFFF8000;
	(pc) =	sbr.rel @p0 .LBB2_1-.Ltmp0, $4  }
0xe1: {  	[hbm4b:s21+s2] =	stream.linear.scatter [tilespmem:s18], [sflag:$0x3], $0x8000, $0x38;
	[tilespmem:$0x10100] =	vst v63  }
0xe2: {  	_ =	swait.ge [sflag:s8], $0x8000  }
0xe3: {  	[sflag:s8] =	ssyncset.done $0x0  }
0xe4: {  	s7 =	sadd.s32 $0xFFFFFFFF, s7;
	[sflag:s8] =	ssyncadd.s32 $0xFFFF8000  }
0xe5: {  	_ =	sfence.sel $0x180000  }
0xe6: {  	[bflag:$0x0] =	sbarrier.arrive $0xFFFF  }
0xe7: {  	_ =	strace $0x9000004A  }
0xe8: {  	s0 =	stileid.u32;
	[bflag:$0x2] =	sbarrier.arrive $0xFFFF  }
0xe9: {  	p0 =	sne.s32 s0, $0x0;
	s0 =	rddreg [dreg:$0x2]  }
0xea: {  	s0 =	sadd.s32 @!p0 $0x100000, s0  }
0xeb: {  	[sflag:s0] =	ssyncadd.tile.s32 @!p0 $0x1;
	_ =	shalt  }
.Lfunc_end2:
_tile_overlayer_lowered:
.L_overlay_start_2:
0xec: {  	(tag) =	ssettag $0x2  }
0xed: {  	s0 =	rddreg [dreg:$0x0];
	s2 =	stileid.u32  }
0xee: {  	s1 =	rddreg [dreg:$0x1];
	p0 =	sne.s32 s2, $0x0  }
0xef: {  	s3 =	rddreg [dreg:$0x2];
	[bflag:$0x3] =	sbarrier.arrive $0xFFFF;
	s2 =	simm.s32 @!p0 $0x1C03  }
0xf0: {  	[timem:s3], [sflag:s2] =	dma.local @!p0 [hbm:s0], s1  }
0xf1: {  	s0 =	simm.s32 @!p0 $0x3  }
0xf2: {  	_ =	swait.ge @!p0 [sflag:s0], s1  }
0xf3: {  	s1 =	ssub.s32 @!p0 $0x0, s1;
	[sflag:s0] =	ssyncset.done @!p0 $0x0  }
0xf4: {  	[sflag:s0] =	ssyncadd.s32 @!p0 s1  }
0xf5: {  	[bflag:$0x3] =	sbarrier.arrive $0xFFFF  }
0xf6: {  	_ =	shalt  }

// kernel: kernel.8.cloned.1.call-start
scs
__scs_entry_jumppad:
0x0: {  	(pc) =	sbr.rel $0x88, $3  }
0x1: {  	(tag) =	ssettag $0x0;
	lr =	simm.s32 $0x1  }
0x2: {  	[smem:$0x3F98] =	sst lr;
	_ =	strace $0xD0000000  }
0x3: {  	_ = 	snop  }
0x4: {  	_ = 	snop  }
0x5: {  	_ = 	snop  }
0x6: {  	_ = 	snop  }
0x7: {  	_ = 	snop  }
__scs_overlays_trampoline_lowered:
0x8: {  	[smem:$0x3FA7] =	sst s0  }
0x9: {  	[smem:$0x3FA8] =	sst s1  }
0xa: {  	[smem:$0x3FA9] =	sst s2  }
0xb: {  	[smem:$0x3FAA] =	sst s3  }
0xc: {  	[smem:$0x3FAB] =	sst s4  }
0xd: {  	[smem:$0x3FAC] =	sst s5  }
0xe: {  	[smem:$0x3FAD] =	sst s6  }
0xf: {  	[smem:$0x3FAE] =	sst s7  }
0x10: {  	[smem:$0x3FAF] =	sst s8  }
0x11: {  	[smem:$0x3FB0] =	sst s9;
	s0 =	simm.s32 @!p0 $0x0  }
0x12: {  	s1 =	sld [smem:$0x3F96];
	s0 =	simm.s32 @p0 $0x1  }
0x13: {  	[smem:$0x3FB1] =	sst s0;
	s0 =	simm.s32 @!p1 $0x0  }
0x14: {  	s2 =	sld [smem:$0x3F95];
	s0 =	simm.s32 @p1 $0x1  }
0x15: {  	[smem:$0x3FB2] =	sst s0;
	s0 =	simm.s32 @!p2 $0x0  }
0x16: {  	s3 =	sld [smem:$0x3FDB];
	s0 =	simm.s32 @p2 $0x1  }
0x17: {  	s4 =	simm.s32 $0x1BF5;
	[smem:$0x3FB4] =	sst s0  }
0x18: {  	s0 =	sld [smem:$0x3F97];
	_ =	swait.ge [sflag:s4], $0x0  }
0x19: {  	s7 =	sld [smem:$0x3F98]  }
0x1a: {  	s8 =	sadd.s32 $0xFFFFE003, lr  }
0x1b: {  	s9 =	sadd.s32 $0xFFFFFEF7, lr;
	s5 =	simm.s32 $0xFFFFFFFF;
	p2 =	slt.u32 s8, $0xFFFFF086  }
0x1c: {  	p1 =	slt.u32 s9, $0xF7A;
	s5 =	simm.s32 @!p2 $0x0  }
0x1d: {  	s5 =	simm.s32 @p1 $0x1;
	p0 =	seq.s32 s7, s2  }
0x1e: {  	s7 =	smul.u32 @!p0 $0xF7A, s2;
	p2 =	seq.s32 @!p0 s5, $0x0  }
0x1f: {  	s9 =	smul.u32 $0xF7A, s1;
	s8 =	simm.s32 @!p0 $0x1BF5;
	p2 =	por !p2, p0  }
0x20: {  	[sflag:s8] =	ssyncset.s32 @!p0 $0xFFFFF086;
	s6 =	sadd.s32 @!p0 s3, s7;
	s7 =	simm.s32 @!p0 $0x108  }
0x21: {  	s3 =	sadd.s32 s3, s9;
	s6 =	sadd.s32 @!p0 $0x88, s6;
	s7 =	simm.s32 @p2 $0x1082  }
0x22: {  	[simem:s7], [sflag:s8] =	dma.local @!p0 [hbm:s6], $0xF7A  }
0x23: {  	s9 =	sor.u32 $0xD0000000, s2;
	s6 =	simm.s32 $0x108;
	_ =	swait.ge @!p0 [sflag:s8], $0x0  }
0x24: {  	s3 =	sadd.s32 $0x88, s3;
	s6 =	simm.s32 @!p1 $0x1082;
	[sflag:s4] =	ssyncset.s32 $0xFFFFF086  }
0x25: {  	[simem:s6], [sflag:s4] =	dma.local [hbm:s3], $0xF7A  }
0x26: {  	[smem:$0x3F98] =	sst s1;
	(tag) =	ssettag s2;
	_ =	strace s9  }
0x27: {  	s1 =	sld [smem:$0x3FA8]  }
0x28: {  	s2 =	sld [smem:$0x3FA9]  }
0x29: {  	s4 =	sld [smem:$0x3FAB]  }
0x2a: {  	p0 =	seq.s32 s5, $0x0;
	s5 =	sld [smem:$0x3FAC]  }
0x2b: {  	s6 =	sld [smem:$0x3FAD]  }
0x2c: {  	s7 =	sld [smem:$0x3FAE]  }
0x2d: {  	s3 =	simm.s32 $0x108;
	s8 =	sld [smem:$0x3FAF]  }
0x2e: {  	s3 =	simm.s32 @!p0 $0x1082;
	s9 =	sld [smem:$0x3FB0]  }
0x2f: {  	lr =	sadd.s32 s0, s3;
	s0 =	sld [smem:$0x3FA7]  }
0x30: {  	s3 =	sld [smem:$0x3FAA]  }
0x31: {  	[smem:$0x3FB3] =	sst s10  }
0x32: {  	s10 =	sld [smem:$0x3FB1];
	_ =	sdelay $0x3  }
0x33: {  	p0 =	seq.s32 s10, $0x1;
	s10 =	sld [smem:$0x3FB3];
	_ =	sdelay $0x3  }
0x34: {  	[smem:$0x3FB3] =	sst s10  }
0x35: {  	s10 =	sld [smem:$0x3FB2];
	_ =	sdelay $0x3  }
0x36: {  	p1 =	seq.s32 s10, $0x1;
	s10 =	sld [smem:$0x3FB3];
	_ =	sdelay $0x3  }
0x37: {  	[smem:$0x3FB3] =	sst s10  }
0x38: {  	s10 =	sld [smem:$0x3FB4]  }
0x39: {  	_ = 	snop;
	(pc) =	sbr.ind lr, $3  }
0x3a: {  	_ = 	snop  }
0x3b: {  	_ = 	snop  }
0x3c: {  	p2 =	seq.s32 s10, $0x1;
	s10 =	sld [smem:$0x3FB3]  }
0x3d: {  	_ =	shalt  }
0x3e: {  	_ =	shalt  }
0x3f: {  	_ =	shalt  }
0x40: {  	_ =	shalt  }
0x41: {  	_ =	shalt  }
0x42: {  	_ =	shalt  }
0x43: {  	_ =	shalt  }
0x44: {  	_ =	shalt  }
0x45: {  	_ =	shalt  }
0x46: {  	_ =	shalt  }
0x47: {  	_ =	shalt  }
0x48: {  	_ =	shalt  }
0x49: {  	_ =	shalt  }
0x4a: {  	_ =	shalt  }
0x4b: {  	_ =	shalt  }
0x4c: {  	_ =	shalt  }
0x4d: {  	_ =	shalt  }
0x4e: {  	_ =	shalt  }
0x4f: {  	_ =	shalt  }
0x50: {  	_ =	shalt  }
0x51: {  	_ =	shalt  }
0x52: {  	_ =	shalt  }
0x53: {  	_ =	shalt  }
0x54: {  	_ =	shalt  }
0x55: {  	_ =	shalt  }
0x56: {  	_ =	shalt  }
0x57: {  	_ =	shalt  }
0x58: {  	_ =	shalt  }
0x59: {  	_ =	shalt  }
0x5a: {  	_ =	shalt  }
0x5b: {  	_ =	shalt  }
0x5c: {  	_ =	shalt  }
0x5d: {  	_ =	shalt  }
0x5e: {  	_ =	shalt  }
0x5f: {  	_ =	shalt  }
0x60: {  	_ =	shalt  }
0x61: {  	_ =	shalt  }
0x62: {  	_ =	shalt  }
0x63: {  	_ =	shalt  }
0x64: {  	_ =	shalt  }
0x65: {  	_ =	shalt  }
0x66: {  	_ =	shalt  }
0x67: {  	_ =	shalt  }
0x68: {  	_ =	shalt  }
0x69: {  	_ =	shalt  }
0x6a: {  	_ =	shalt  }
0x6b: {  	_ =	shalt  }
0x6c: {  	_ =	shalt  }
0x6d: {  	_ =	shalt  }
0x6e: {  	_ =	shalt  }
0x6f: {  	_ =	shalt  }
0x70: {  	_ =	shalt  }
0x71: {  	_ =	shalt  }
0x72: {  	_ =	shalt  }
0x73: {  	_ =	shalt  }
0x74: {  	_ =	shalt  }
0x75: {  	_ =	shalt  }
0x76: {  	_ =	shalt  }
0x77: {  	_ =	shalt  }
0x78: {  	_ =	shalt  }
0x79: {  	_ =	shalt  }
0x7a: {  	_ =	shalt  }
0x7b: {  	_ =	shalt  }
0x7c: {  	_ =	shalt  }
0x7d: {  	_ =	shalt  }
0x7e: {  	_ =	shalt  }
0x7f: {  	_ =	shalt  }
0x80: {  	_ =	shalt  }
0x81: {  	_ =	shalt  }
0x82: {  	_ =	shalt  }
0x83: {  	_ =	shalt  }
0x84: {  	_ =	shalt  }
0x85: {  	_ =	shalt  }
0x86: {  	_ =	shalt  }
0x87: {  	_ =	shalt  }
.Lfunc_end0:
.L_simem_size_0:
called_computation_lowered:
.L_overlay_start_0:
0x88: {  	s2 =	sld [smem:$0x3FD9]  }
0x89: {  	s3 =	sld [smem:$0x3FFE];
	_ =	sdelay $0x1  }
0x8a: {  	s1 =	srdreg.scid  }
0x8b: {  	s0 =	sand.u32 $0x1, s1  }
0x8c: {  	s17 =	sshll.u32 s0, $0xA;
	s2 =	sadd.s32 s3, s2  }
0x8d: {  	s2 =	sadd.s32 s2, s17  }
0x8e: {  	[smem:$0x3FBF] =	sst s2  }
0x8f: {  	_ = 	snop  }
0x90: {  	s2 =	sld [smem:$0x3FC9]  }
0x91: {  	s18 =	sld [smem:$0x3FD0];
	(tm) =	ssettm $0x1  }
0x92: {  	s4 =	sld [smem:$0x3FFB];
	_ =	sdelay $0x3  }
0x93: {  	_ =	strace s4  }
0x94: {  	s4 =	sld [smem:$0x3FFC];
	_ =	sdelay $0x3  }
0x95: {  	_ =	strace s4  }
0x96: {  	s4 =	sld [smem:$0x3FFD];
	_ =	sdelay $0x3  }
0x97: {  	_ =	strace s4  }
0x98: {  	_ =	strace $0x8FFFFFFF  }
0x99: {  	s19 =	sld [smem:$0x3FDB];
	_ =	sdelay $0x1  }
0x9a: {  	s5 =	simm.s32 $_scs_section_size  }
0x9b: {  	s6 =	simm.s32 $_size__tile_overlayer_lowered;
	s7 =	simm.s32 $_tile_overlayer_lowered  }
0x9c: {  	s22 =	simm.s32 $0x1BFF;
	s21 =	sshll.u32 s7, $0x1;
	s4 =	sadd.s32 s5, s19  }
0x9d: {  	s8 =	simm.s32 $0x0;
	s20 =	sshll.u32 s6, $0x1;
	s6 =	sadd.s32 s21, s4  }
0x9e: {  	[timem:s8], [sflag:s22] =	dma.local [hbm:s6], s20  }
0x9f: {  	_ =	swait.ge [sflag:s22], s20  }
0xa0: {  	s5 =	ssub.s32 $0x0, s20;
	[sflag:s22] =	ssyncset.done $0x0  }
0xa1: {  	[sflag:s22] =	ssyncadd.s32 s5;
	_ =	sdelay $0x1  }
0xa2: {  	s23 =	simm.s32 $0x1B8B  }
0xa3: {  	_ =	swait.ge [sflag:s23], $0x1  }
0xa4: {  	[sflag:s23] =	ssyncset.done $0x0  }
0xa5: {  	s25 =	simm.s32 $0x1B8E;
	s24 =	sld [smem:$0x3FFE];
	[sflag:s23] =	ssyncadd.s32 $0xFFFFFFFF  }
0xa6: {  	s26 =	simm.s32 $execute0_lowered;
	[smem:$0x3FD2] =	sst s25  }
0xa7: {  	s6 =	sshll.u32 s26, $0x1;
	_ =	strace $0x80000046;
	[dreg:$0x1] =	wrdreg $0xFFFFFFFF  }
0xa8: {  	s28 =	simm.s32 $_size_execute0_lowered;
	s4 =	sadd.s32 s4, s6;
	[dreg:$0x0] =	wrdreg $0x0  }
0xa9: {  	s6 =	sshll.u32 s28, $0x1;
	[dreg:$0x2] =	wrdreg s4  }
0xaa: {  	[dreg:$0x3] =	wrdreg s6  }
0xab: {  	[dreg:$0x4] =	wrdreg $0xC0  }
0xac: {  	_ =	task [dreg:s8], $0x5FFFF  }
0xad: {  	[dreg:$0x1] =	wrdreg $0xFFFFFFFF  }
0xae: {  	[dreg:$0x0] =	wrdreg $0x60  }
0xaf: {  	[dreg:$0x2] =	wrdreg s24  }
0xb0: {  	[dreg:$0x3] =	wrdreg s2  }
0xb1: {  	[dreg:$0x4] =	wrdreg s18  }
0xb2: {  	[dreg:$0x5] =	wrdreg $0x9  }
0xb3: {  	_ =	task.clear_ibuf [dreg:s8], $0x6FFFF;
	_ =	strace $0x90000046  }
0xb4: {  	s29 =	simm.s32 $0x9;
	_ =	strace $0x80000048  }
0xb5: {  	_ =	swait.ge [sflag:s29], $0x1  }
0xb6: {  	[sflag:s29] =	ssyncadd.s32 $0xFFFFFFFF  }
0xb7: {  	_ =	strace $0x90000048  }
0xb8: {  	_ =	sfence  }
0xb9: {  	s30 =	sld [smem:$0x0];
	_ =	sdelay $0x2  }
0xba: {  	s31 =	sshll.u32 s1, $0xD;
	s1 =	sshrl.u32 s1, $0x2  }
0xbb: {  	s3 =	sand.u32 $0x4000, s31;
	s1 =	sadd.s32 s1, s30  }
0xbc: {  	s0 =	sor.u32 s3, s0;
	s1 =	sshll.u32 s1, $0x11  }
0xbd: {  	s0 =	sor.u32 s1, s0  }
0xbe: {  	s0 =	sadd.s32 $0x8F2B, s0  }
0xbf: {  	[sflag:s0] =	ssyncadd.remote.s32 $0x1  }
0xc0: {  	_ =	sfence.sel $0xFFFF  }
0xc1: {  	[dreg:$0x0] =	wrdreg $0xFFFFFFFF;
	(pc) =	sbr.abs _section_cstart, $3  }
0xc2: {  	[dreg:$0x1] =	wrdreg $0xFFFFFFFF  }
0xc3: {  	_ =	task.clear_ibuf [dreg:s8], $0x2FFFF;
	_ =	strace $0x9FFFFFFF  }
0xc4: {  	(tm) =	ssettm $0x7FFFFFFF  }
0xc5: {  	_ =	shalt  }
tec
execute0_lowered:
.L_overlay_start_1:
0x0: {  	(tag) =	ssettag $0x1  }
0x1: {  	s0 =	srdreg.scid;
	s1 =	rddreg [dreg:$0x0]  }
0x2: {  	s4 =	stileid.u32;
	s2 =	rddreg [dreg:$0x1]  }
0x3: {  	s9 =	simm.s32 $0x5;
	s23 =	simm.s32 $0x100;
	s10 =	simm.s32 $0x2900  }
0x4: {  	s12 =	simm.s32 $0x3100;
	s13 =	simm.s32 $0x3900;
	s14 =	simm.s32 $0x4100  }
0x5: {  	s15 =	simm.s32 $0x4900;
	s16 =	simm.s32 $0x5100;
	s17 =	simm.s32 $0x5900  }
0x6: {  	s18 =	simm.s32 $0x6100;
	s19 =	simm.s32 $0x6900;
	s20 =	simm.s32 $0x7100  }
0x7: {  	s21 =	simm.s32 $0x7900;
	s22 =	simm.s32 $0x8100;
	s11 =	simm.s32 $0x8900  }
0x8: {  	s24 =	simm.s32 $0x9100;
	s29 =	simm.s32 $0xA900;
	s0 =	sand.u32 $0x1, s0  }
0x9: {  	s30 =	simm.s32 $0xB100;
	s4 =	sshll.u32 s4, $0x6;
	s3 =	sshll.u32 s0, $0xA  }
0xa: {  	s31 =	simm.s32 $0xB900;
	s0 =	ssub.s32 $0x2, s0;
	s4 =	sor.u32 s4, s3  }
0xb: {  	s3 =	simm.s32 $0x0;
	s26 =	sshrl.u32 s0, $0x1;
	s5 =	sshrl.u32 s4, $0x3  }
0xc: {  	[smem:$0x7FF] =	sst s3;
	s6 =	sshll.u32 s4, $0x4;
	s4 =	sshll.u32 s4, $0x7  }
0xd: {  	s0 =	ssub.s32 s0, s26;
	s5 =	sadd.s32 s5, s1;
	s2 =	sadd.s32 s2, s4  }
0xe: {  	_ =	strace $0x80000047;
	s7 =	sadd.s32 $0x12000, s5;
	[dreg:$0x6] =	wrdreg s2  }
0xf: {  	s6 =	sadd.s32 s6, s1;
	s5 =	sadd.s32 $0x12200, s5;
	[dreg:$0x4] =	wrdreg s7  }
0x10: {  	s26 =	simm.s32 $0xA100;
	s25 =	sadd.s32 $0x2000, s6;
	[dreg:$0x5] =	wrdreg s5  }
0x11: {  	v2 =	vlaneseq.u32;
	s4 =	sadd.s32 $0x12400, s1;
	s28 =	sadd.s32 $0xA000, s6;
	[dreg:$0x7] =	wrdreg s25  }
0x12: {  	vm0 =	vmmov $0xffff;
	v1 =	vshrl.u32 v2, $0x3;
	s8 =	smax.u32 s0, $0x1;
	s6 =	sadd.s32 $0x12600, s1;
	[dreg:$0x8] =	wrdreg s28  }
0x13: {  	v0 =	vand.u32 $0x7, v2;
	v2 =	vor.u32 $0x8, v2;
	v1 =	vmul.u32 $0x8, v1;
	s5 =	sadd.s32 $0x12500, s1;
	s7 =	sadd.s32 $0x12700, s1;
	s25 =	simm.s32 $0x9900  }
.LBB2_1:
0x14: {  	s28 =	rddreg [dreg:$0x4]  }
0x15: {  	[tilespmem:s3], [sflag:$0x5] =	stream.linear.gather [hbm4b:s28+s3], $0x40, $0x38;
	[tilespmem:$0x14100] =	vst v63  }
0x16: {  	_ =	swait.ge [sflag:s9], $0x40  }
0x17: {  	[sflag:s9] =	ssyncset.done $0x0  }
0x18: {  	s0 =	simm.s32 $0x80;
	s2 =	rddreg [dreg:$0x5];
	[sflag:s9] =	ssyncadd.s32 $0xFFFFFFC0  }
0x19: {  	[tilespmem:s0], [sflag:$0x5] =	stream.linear.gather [hbm4b:s2+s3], $0x40, $0x38;
	[tilespmem:$0x14100] =	vst v63  }
0x1a: {  	_ =	swait.ge [sflag:s9], $0x40  }
0x1b: {  	[sflag:s9] =	ssyncset.done $0x0  }
0x1c: {  	s0 =	rddreg [dreg:$0x6];
	[sflag:s9] =	ssyncadd.s32 $0xFFFFFFC0  }
0x1d: {  	[tilespmem:s23], [sflag:$0x5] =	stream.linear.gather [hbm4b:s0+s3], $0x10000, $0x38;
	[tilespmem:$0x14100] =	vst v63  }
0x1e: {  	_ =	swait.ge [sflag:s9], $0x10000  }
0x1f: {  	[sflag:s9] =	ssyncset.done $0x0  }
0x20: {  	s2 =	simm.s32 $0x10100;
	s1 =	rddreg [dreg:$0x7];
	[sflag:s9] =	ssyncadd.s32 $0xFFFF0000  }
0x21: {  	[tilespmem:s2], [sflag:$0x5] =	stream.linear.gather [hbm4b:s1+s3], $0x2000, $0x38;
	[tilespmem:$0x14100] =	vst v63  }
0x22: {  	_ =	swait.ge [sflag:s9], $0x2000  }
0x23: {  	[sflag:s9] =	ssyncset.done $0x0  }
0x24: {  	s1 =	simm.s32 $0x12100;
	s0 =	rddreg [dreg:$0x8];
	[sflag:s9] =	ssyncadd.s32 $0xFFFFE000  }
0x25: {  	[tilespmem:s1], [sflag:$0x5] =	stream.linear.gather [hbm4b:s0+s3], $0x2000, $0x38;
	[tilespmem:$0x14100] =	vst v63  }
0x26: {  	_ =	swait.ge [sflag:s9], $0x2000  }
0x27: {  	[sflag:s9] =	ssyncset.done $0x0  }
0x28: {  	[sflag:s9] =	ssyncadd.s32 $0xFFFFE000  }
0x29: {  	v3 =	vld [tilespmem:$0x0];
	_ =	sdelay $0x4  }
0x2a: {  	v4 =	vshll.u32 v3, $0x3  }
0x2b: {  	v3 =	vand.u32 $0x7, v3;
	v4 =	vand.u32 $0xFFFFFFC0, v4  }
0x2c: {  	v3 =	vor.u32 v3, v4  }
0x2d: {  	v4 =	vperm.xlane v3, v0;
	_ =	sdelay $0x1  }
0x2e: {  	v4 =	vadd.s32 v1, v4;
	_ =	sdelay $0x4  }
0x2f: {  	[hbm4b:s4+s3] =	stream.indirect_vreg.scatter [tilespmem:s23], [sflag:$0x1], $0x80, v4, vm0, $0xb8;
	[tilespmem:$0x14100] =	vst v63  }
0x30: {  	s28 =	simm.s32 $0x900;
	v3 =	vperm.xlane v3, v2  }
0x31: {  	[hbm4b:s5+s3] =	stream.indirect_vreg.scatter [tilespmem:s28], [sflag:$0x1], $0x80, v4, vm0, $0xb8;
	[tilespmem:$0x14100] =	vst v63  }
0x32: {  	s1 =	simm.s32 $0x1100;
	v3 =	vadd.s32 v1, v3  }
0x33: {  	[hbm4b:s6+s3] =	stream.indirect_vreg.scatter [tilespmem:s1], [sflag:$0x1], $0x80, v4, vm0, $0xb8;
	[tilespmem:$0x14100] =	vst v63  }
0x34: {  	s2 =	simm.s32 $0x1900  }
0x35: {  	[hbm4b:s7+s3] =	stream.indirect_vreg.scatter [tilespmem:s2], [sflag:$0x1], $0x80, v4, vm0, $0xb8;
	[tilespmem:$0x14100] =	vst v63  }
0x36: {  	s2 =	simm.s32 $0x2100  }
0x37: {  	[hbm4b:s4+s3] =	stream.indirect_vreg.scatter [tilespmem:s2], [sflag:$0x1], $0x80, v3, vm0, $0xb8;
	[tilespmem:$0x14100] =	vst v63  }
0x38: {  	_ = 	snop  }
0x39: {  	[hbm4b:s5+s3] =	stream.indirect_vreg.scatter [tilespmem:s10], [sflag:$0x1], $0x80, v3, vm0, $0xb8;
	[tilespmem:$0x14100] =	vst v63  }
0x3a: {  	_ = 	snop  }
0x3b: {  	[hbm4b:s6+s3] =	stream.indirect_vreg.scatter [tilespmem:s12], [sflag:$0x1], $0x80, v3, vm0, $0xb8;
	[tilespmem:$0x14100] =	vst v63  }
0x3c: {  	_ = 	snop  }
0x3d: {  	[hbm4b:s7+s3] =	stream.indirect_vreg.scatter [tilespmem:s13], [sflag:$0x1], $0x80, v3, vm0, $0xb8;
	[tilespmem:$0x14100] =	vst v63  }
0x3e: {  	v3 =	vld [tilespmem:$0x10];
	_ =	sdelay $0x4  }
0x3f: {  	v57 =	vshll.u32 v3, $0x3  }
0x40: {  	v3 =	vand.u32 $0x7, v3;
	v4 =	vand.u32 $0xFFFFFFC0, v57  }
0x41: {  	v3 =	vor.u32 v3, v4  }
0x42: {  	v4 =	vperm.xlane v3, v0;
	_ =	sdelay $0x1  }
0x43: {  	v4 =	vadd.s32 v1, v4;
	_ =	sdelay $0x4  }
0x44: {  	[hbm4b:s4+s3] =	stream.indirect_vreg.scatter [tilespmem:s14], [sflag:$0x1], $0x80, v4, vm0, $0xb8;
	[tilespmem:$0x14100] =	vst v63  }
0x45: {  	v3 =	vperm.xlane v3, v2  }
0x46: {  	[hbm4b:s5+s3] =	stream.indirect_vreg.scatter [tilespmem:s15], [sflag:$0x1], $0x80, v4, vm0, $0xb8;
	[tilespmem:$0x14100] =	vst v63  }
0x47: {  	v3 =	vadd.s32 v1, v3  }
0x48: {  	[hbm4b:s6+s3] =	stream.indirect_vreg.scatter [tilespmem:s16], [sflag:$0x1], $0x80, v4, vm0, $0xb8;
	[tilespmem:$0x14100] =	vst v63  }
0x49: {  	_ = 	snop  }
0x4a: {  	[hbm4b:s7+s3] =	stream.indirect_vreg.scatter [tilespmem:s17], [sflag:$0x1], $0x80, v4, vm0, $0xb8;
	[tilespmem:$0x14100] =	vst v63  }
0x4b: {  	_ = 	snop  }
0x4c: {  	[hbm4b:s4+s3] =	stream.indirect_vreg.scatter [tilespmem:s18], [sflag:$0x1], $0x80, v3, vm0, $0xb8;
	[tilespmem:$0x14100] =	vst v63  }
0x4d: {  	_ = 	snop  }
0x4e: {  	[hbm4b:s5+s3] =	stream.indirect_vreg.scatter [tilespmem:s19], [sflag:$0x1], $0x80, v3, vm0, $0xb8;
	[tilespmem:$0x14100] =	vst v63  }
0x4f: {  	_ = 	snop  }
0x50: {  	[hbm4b:s6+s3] =	stream.indirect_vreg.scatter [tilespmem:s20], [sflag:$0x1], $0x80, v3, vm0, $0xb8;
	[tilespmem:$0x14100] =	vst v63  }
0x51: {  	_ = 	snop  }
0x52: {  	[hbm4b:s7+s3] =	stream.indirect_vreg.scatter [tilespmem:s21], [sflag:$0x1], $0x80, v3, vm0, $0xb8;
	[tilespmem:$0x14100] =	vst v63  }
0x53: {  	v3 =	vld [tilespmem:$0x20];
	_ =	sdelay $0x4  }
0x54: {  	v58 =	vshll.u32 v3, $0x3  }
0x55: {  	v3 =	vand.u32 $0x7, v3;
	v4 =	vand.u32 $0xFFFFFFC0, v58  }
0x56: {  	v3 =	vor.u32 v3, v4  }
0x57: {  	v4 =	vperm.xlane v3, v0;
	_ =	sdelay $0x1  }
0x58: {  	v4 =	vadd.s32 v1, v4;
	_ =	sdelay $0x4  }
0x59: {  	[hbm4b:s4+s3] =	stream.indirect_vreg.scatter [tilespmem:s22], [sflag:$0x1], $0x80, v4, vm0, $0xb8;
	[tilespmem:$0x14100] =	vst v63  }
0x5a: {  	v3 =	vperm.xlane v3, v2  }
0x5b: {  	[hbm4b:s5+s3] =	stream.indirect_vreg.scatter [tilespmem:s11], [sflag:$0x1], $0x80, v4, vm0, $0xb8;
	[tilespmem:$0x14100] =	vst v63  }
0x5c: {  	v3 =	vadd.s32 v1, v3  }
0x5d: {  	[hbm4b:s6+s3] =	stream.indirect_vreg.scatter [tilespmem:s24], [sflag:$0x1], $0x80, v4, vm0, $0xb8;
	[tilespmem:$0x14100] =	vst v63  }
0x5e: {  	_ = 	snop  }
0x5f: {  	[hbm4b:s7+s3] =	stream.indirect_vreg.scatter [tilespmem:s25], [sflag:$0x1], $0x80, v4, vm0, $0xb8;
	[tilespmem:$0x14100] =	vst v63  }
0x60: {  	_ = 	snop  }
0x61: {  	[hbm4b:s4+s3] =	stream.indirect_vreg.scatter [tilespmem:s26], [sflag:$0x1], $0x80, v3, vm0, $0xb8;
	[tilespmem:$0x14100] =	vst v63  }
0x62: {  	_ = 	snop  }
0x63: {  	[hbm4b:s5+s3] =	stream.indirect_vreg.scatter [tilespmem:s29], [sflag:$0x1], $0x80, v3, vm0, $0xb8;
	[tilespmem:$0x14100] =	vst v63  }
0x64: {  	_ = 	snop  }
0x65: {  	[hbm4b:s6+s3] =	stream.indirect_vreg.scatter [tilespmem:s30], [sflag:$0x1], $0x80, v3, vm0, $0xb8;
	[tilespmem:$0x14100] =	vst v63  }
0x66: {  	_ = 	snop  }
0x67: {  	[hbm4b:s7+s3] =	stream.indirect_vreg.scatter [tilespmem:s31], [sflag:$0x1], $0x80, v3, vm0, $0xb8;
	[tilespmem:$0x14100] =	vst v63  }
0x68: {  	v3 =	vld [tilespmem:$0x30];
	_ =	sdelay $0x4  }
0x69: {  	v59 =	vshll.u32 v3, $0x3  }
0x6a: {  	v3 =	vand.u32 $0x7, v3;
	v4 =	vand.u32 $0xFFFFFFC0, v59  }
0x6b: {  	v3 =	vor.u32 v3, v4  }
0x6c: {  	v4 =	vperm.xlane v3, v0;
	_ =	sdelay $0x1  }
0x6d: {  	v4 =	vadd.s32 v1, v4;
	_ =	sdelay $0x3  }
0x6e: {  	s0 =	simm.s32 $0xC100  }
0x6f: {  	[hbm4b:s4+s3] =	stream.indirect_vreg.scatter [tilespmem:s0], [sflag:$0x1], $0x80, v4, vm0, $0xb8;
	[tilespmem:$0x14100] =	vst v63  }
0x70: {  	v3 =	vperm.xlane v3, v2;
	s0 =	simm.s32 $0xC900  }
0x71: {  	[hbm4b:s5+s3] =	stream.indirect_vreg.scatter [tilespmem:s0], [sflag:$0x1], $0x80, v4, vm0, $0xb8;
	[tilespmem:$0x14100] =	vst v63  }
0x72: {  	v3 =	vadd.s32 v1, v3;
	s0 =	simm.s32 $0xD100  }
0x73: {  	[hbm4b:s6+s3] =	stream.indirect_vreg.scatter [tilespmem:s0], [sflag:$0x1], $0x80, v4, vm0, $0xb8;
	[tilespmem:$0x14100] =	vst v63  }
0x74: {  	s0 =	simm.s32 $0xD900  }
0x75: {  	[hbm4b:s7+s3] =	stream.indirect_vreg.scatter [tilespmem:s0], [sflag:$0x1], $0x80, v4, vm0, $0xb8;
	[tilespmem:$0x14100] =	vst v63  }
0x76: {  	s0 =	simm.s32 $0xE100  }
0x77: {  	[hbm4b:s4+s3] =	stream.indirect_vreg.scatter [tilespmem:s0], [sflag:$0x1], $0x80, v3, vm0, $0xb8;
	[tilespmem:$0x14100] =	vst v63  }
0x78: {  	s0 =	simm.s32 $0xE900  }
0x79: {  	[hbm4b:s5+s3] =	stream.indirect_vreg.scatter [tilespmem:s0], [sflag:$0x1], $0x80, v3, vm0, $0xb8;
	[tilespmem:$0x14100] =	vst v63  }
0x7a: {  	s0 =	simm.s32 $0xF100  }
0x7b: {  	[hbm4b:s6+s3] =	stream.indirect_vreg.scatter [tilespmem:s0], [sflag:$0x1], $0x80, v3, vm0, $0xb8;
	[tilespmem:$0x14100] =	vst v63  }
0x7c: {  	s0 =	simm.s32 $0xF900  }
0x7d: {  	[hbm4b:s7+s3] =	stream.indirect_vreg.scatter [tilespmem:s0], [sflag:$0x1], $0x80, v3, vm0, $0xb8;
	[tilespmem:$0x14100] =	vst v63  }
0x7e: {  	v3 =	vld [tilespmem:$0x80];
	_ =	sdelay $0x4  }
0x7f: {  	v60 =	vshll.u32 v3, $0x3  }
0x80: {  	v3 =	vand.u32 $0x7, v3;
	v4 =	vand.u32 $0xFFFFFFC0, v60  }
0x81: {  	v3 =	vor.u32 v3, v4  }
0x82: {  	v4 =	vperm.xlane v3, v0;
	_ =	sdelay $0x1  }
0x83: {  	v4 =	vadd.s32 v1, v4;
	_ =	sdelay $0x4  }
0x84: {  	[hbm4b:s4+s3] =	stream.indirect_vreg.scatter [tilespmem:s23], [sflag:$0x2], $0x80, v4, vm0, $0xb8;
	[tilespmem:$0x14100] =	vst v63  }
0x85: {  	v3 =	vperm.xlane v3, v2  }
0x86: {  	[hbm4b:s5+s3] =	stream.indirect_vreg.scatter [tilespmem:s28], [sflag:$0x2], $0x80, v4, vm0, $0xb8;
	[tilespmem:$0x14100] =	vst v63  }
0x87: {  	v3 =	vadd.s32 v1, v3  }
0x88: {  	[hbm4b:s6+s3] =	stream.indirect_vreg.scatter [tilespmem:s1], [sflag:$0x2], $0x80, v4, vm0, $0xb8;
	[tilespmem:$0x14100] =	vst v63  }
0x89: {  	s28 =	simm.s32 $0x1900  }
0x8a: {  	[hbm4b:s7+s3] =	stream.indirect_vreg.scatter [tilespmem:s28], [sflag:$0x2], $0x80, v4, vm0, $0xb8;
	[tilespmem:$0x14100] =	vst v63  }
0x8b: {  	_ = 	snop  }
0x8c: {  	[hbm4b:s4+s3] =	stream.indirect_vreg.scatter [tilespmem:s2], [sflag:$0x2], $0x80, v3, vm0, $0xb8;
	[tilespmem:$0x14100] =	vst v63  }
0x8d: {  	_ = 	snop  }
0x8e: {  	[hbm4b:s5+s3] =	stream.indirect_vreg.scatter [tilespmem:s10], [sflag:$0x2], $0x80, v3, vm0, $0xb8;
	[tilespmem:$0x14100] =	vst v63  }
0x8f: {  	_ = 	snop  }
0x90: {  	[hbm4b:s6+s3] =	stream.indirect_vreg.scatter [tilespmem:s12], [sflag:$0x2], $0x80, v3, vm0, $0xb8;
	[tilespmem:$0x14100] =	vst v63  }
0x91: {  	_ = 	snop  }
0x92: {  	[hbm4b:s7+s3] =	stream.indirect_vreg.scatter [tilespmem:s13], [sflag:$0x2], $0x80, v3, vm0, $0xb8;
	[tilespmem:$0x14100] =	vst v63  }
0x93: {  	v3 =	vld [tilespmem:$0x90];
	_ =	sdelay $0x4  }
0x94: {  	v61 =	vshll.u32 v3, $0x3  }
0x95: {  	v3 =	vand.u32 $0x7, v3;
	v4 =	vand.u32 $0xFFFFFFC0, v61  }
0x96: {  	v3 =	vor.u32 v3, v4  }
0x97: {  	v4 =	vperm.xlane v3, v0;
	_ =	sdelay $0x1  }
0x98: {  	v4 =	vadd.s32 v1, v4;
	_ =	sdelay $0x4  }
0x99: {  	[hbm4b:s4+s3] =	stream.indirect_vreg.scatter [tilespmem:s14], [sflag:$0x2], $0x80, v4, vm0, $0xb8;
	[tilespmem:$0x14100] =	vst v63  }
0x9a: {  	v3 =	vperm.xlane v3, v2  }
0x9b: {  	[hbm4b:s5+s3] =	stream.indirect_vreg.scatter [tilespmem:s15], [sflag:$0x2], $0x80, v4, vm0, $0xb8;
	[tilespmem:$0x14100] =	vst v63  }
0x9c: {  	v3 =	vadd.s32 v1, v3  }
0x9d: {  	[hbm4b:s6+s3] =	stream.indirect_vreg.scatter [tilespmem:s16], [sflag:$0x2], $0x80, v4, vm0, $0xb8;
	[tilespmem:$0x14100] =	vst v63  }
0x9e: {  	_ = 	snop  }
0x9f: {  	[hbm4b:s7+s3] =	stream.indirect_vreg.scatter [tilespmem:s17], [sflag:$0x2], $0x80, v4, vm0, $0xb8;
	[tilespmem:$0x14100] =	vst v63  }
0xa0: {  	_ = 	snop  }
0xa1: {  	[hbm4b:s4+s3] =	stream.indirect_vreg.scatter [tilespmem:s18], [sflag:$0x2], $0x80, v3, vm0, $0xb8;
	[tilespmem:$0x14100] =	vst v63  }
0xa2: {  	_ = 	snop  }
0xa3: {  	[hbm4b:s5+s3] =	stream.indirect_vreg.scatter [tilespmem:s19], [sflag:$0x2], $0x80, v3, vm0, $0xb8;
	[tilespmem:$0x14100] =	vst v63  }
0xa4: {  	_ = 	snop  }
0xa5: {  	[hbm4b:s6+s3] =	stream.indirect_vreg.scatter [tilespmem:s20], [sflag:$0x2], $0x80, v3, vm0, $0xb8;
	[tilespmem:$0x14100] =	vst v63  }
0xa6: {  	_ = 	snop  }
0xa7: {  	[hbm4b:s7+s3] =	stream.indirect_vreg.scatter [tilespmem:s21], [sflag:$0x2], $0x80, v3, vm0, $0xb8;
	[tilespmem:$0x14100] =	vst v63  }
0xa8: {  	v3 =	vld [tilespmem:$0xA0];
	_ =	sdelay $0x4  }
0xa9: {  	v62 =	vshll.u32 v3, $0x3  }
0xaa: {  	v3 =	vand.u32 $0x7, v3;
	v4 =	vand.u32 $0xFFFFFFC0, v62  }
0xab: {  	v3 =	vor.u32 v3, v4  }
0xac: {  	v4 =	vperm.xlane v3, v0;
	_ =	sdelay $0x1  }
0xad: {  	v4 =	vadd.s32 v1, v4;
	_ =	sdelay $0x4  }
0xae: {  	[hbm4b:s4+s3] =	stream.indirect_vreg.scatter [tilespmem:s22], [sflag:$0x2], $0x80, v4, vm0, $0xb8;
	[tilespmem:$0x14100] =	vst v63  }
0xaf: {  	v3 =	vperm.xlane v3, v2  }
0xb0: {  	[hbm4b:s5+s3] =	stream.indirect_vreg.scatter [tilespmem:s11], [sflag:$0x2], $0x80, v4, vm0, $0xb8;
	[tilespmem:$0x14100] =	vst v63  }
0xb1: {  	v3 =	vadd.s32 v1, v3  }
0xb2: {  	[hbm4b:s6+s3] =	stream.indirect_vreg.scatter [tilespmem:s24], [sflag:$0x2], $0x80, v4, vm0, $0xb8;
	[tilespmem:$0x14100] =	vst v63  }
0xb3: {  	_ = 	snop  }
0xb4: {  	[hbm4b:s7+s3] =	stream.indirect_vreg.scatter [tilespmem:s25], [sflag:$0x2], $0x80, v4, vm0, $0xb8;
	[tilespmem:$0x14100] =	vst v63  }
0xb5: {  	_ = 	snop  }
0xb6: {  	[hbm4b:s4+s3] =	stream.indirect_vreg.scatter [tilespmem:s26], [sflag:$0x2], $0x80, v3, vm0, $0xb8;
	[tilespmem:$0x14100] =	vst v63  }
0xb7: {  	_ = 	snop  }
0xb8: {  	[hbm4b:s5+s3] =	stream.indirect_vreg.scatter [tilespmem:s29], [sflag:$0x2], $0x80, v3, vm0, $0xb8;
	[tilespmem:$0x14100] =	vst v63  }
0xb9: {  	_ = 	snop  }
0xba: {  	[hbm4b:s6+s3] =	stream.indirect_vreg.scatter [tilespmem:s30], [sflag:$0x2], $0x80, v3, vm0, $0xb8;
	[tilespmem:$0x14100] =	vst v63  }
0xbb: {  	_ = 	snop  }
0xbc: {  	[hbm4b:s7+s3] =	stream.indirect_vreg.scatter [tilespmem:s31], [sflag:$0x2], $0x80, v3, vm0, $0xb8;
	[tilespmem:$0x14100] =	vst v63  }
0xbd: {  	v3 =	vld [tilespmem:$0xB0];
	_ =	sdelay $0x4  }
0xbe: {  	v63 =	vshll.u32 v3, $0x3  }
0xbf: {  	v3 =	vand.u32 $0x7, v3;
	v4 =	vand.u32 $0xFFFFFFC0, v63  }
0xc0: {  	v3 =	vor.u32 v3, v4  }
0xc1: {  	v4 =	vperm.xlane v3, v0;
	_ =	sdelay $0x1  }
0xc2: {  	v4 =	vadd.s32 v1, v4;
	_ =	sdelay $0x3  }
0xc3: {  	s28 =	simm.s32 $0xC100  }
0xc4: {  	[hbm4b:s4+s3] =	stream.indirect_vreg.scatter [tilespmem:s28], [sflag:$0x2], $0x80, v4, vm0, $0xb8;
	[tilespmem:$0x14100] =	vst v63  }
0xc5: {  	s2 =	simm.s32 $0xC900;
	v3 =	vperm.xlane v3, v2  }
0xc6: {  	[hbm4b:s5+s3] =	stream.indirect_vreg.scatter [tilespmem:s2], [sflag:$0x2], $0x80, v4, vm0, $0xb8;
	[tilespmem:$0x14100] =	vst v63  }
0xc7: {  	v3 =	vadd.s32 v1, v3;
	s28 =	simm.s32 $0xD100  }
0xc8: {  	[hbm4b:s6+s3] =	stream.indirect_vreg.scatter [tilespmem:s28], [sflag:$0x2], $0x80, v4, vm0, $0xb8;
	[tilespmem:$0x14100] =	vst v63  }
0xc9: {  	s2 =	simm.s32 $0xD900  }
0xca: {  	[hbm4b:s7+s3] =	stream.indirect_vreg.scatter [tilespmem:s2], [sflag:$0x2], $0x80, v4, vm0, $0xb8;
	[tilespmem:$0x14100] =	vst v63  }
0xcb: {  	s28 =	simm.s32 $0xE100  }
0xcc: {  	[hbm4b:s4+s3] =	stream.indirect_vreg.scatter [tilespmem:s28], [sflag:$0x2], $0x80, v3, vm0, $0xb8;
	[tilespmem:$0x14100] =	vst v63  }
0xcd: {  	s2 =	simm.s32 $0xE900  }
0xce: {  	[hbm4b:s5+s3] =	stream.indirect_vreg.scatter [tilespmem:s2], [sflag:$0x2], $0x80, v3, vm0, $0xb8;
	[tilespmem:$0x14100] =	vst v63  }
0xcf: {  	s28 =	simm.s32 $0xF100  }
0xd0: {  	[hbm4b:s6+s3] =	stream.indirect_vreg.scatter [tilespmem:s28], [sflag:$0x2], $0x80, v3, vm0, $0xb8;
	[tilespmem:$0x14100] =	vst v63  }
0xd1: {  	_ = 	snop  }
0xd2: {  	[hbm4b:s7+s3] =	stream.indirect_vreg.scatter [tilespmem:s0], [sflag:$0x2], $0x80, v3, vm0, $0xb8;
	[tilespmem:$0x14100] =	vst v63  }
0xd3: {  	s2 =	simm.s32 $0x10100;
	s28 =	rddreg [dreg:$0x2];
	s0 =	simm.s32 $0x40  }
0xd4: {  	[hbm4b:s28+s0] =	stream.indirect.scatter [tilespmem:s2], [sflag:$0x3], $0x80, s3, s0, $0xb8;
	[tilespmem:$0x14100] =	vst v63  }
0xd5: {  	s1 =	simm.s32 $0x80;
	s2 =	simm.s32 $0x12100  }
0xd6: {  	[hbm4b:s28+s0] =	stream.indirect.scatter [tilespmem:s2], [sflag:$0x4], $0x80, s1, s0, $0xb8;
	[tilespmem:$0x14100] =	vst v63  }
0xd7: {  	s28 =	simm.s32 $0x1  }
0xd8: {  	_ =	swait.ge [sflag:s28], $0x10000  }
0xd9: {  	[sflag:s28] =	ssyncset.done $0x0  }
0xda: {  	s1 =	simm.s32 $0x2;
	[sflag:s28] =	ssyncadd.s32 $0xFFFF0000  }
0xdb: {  	_ =	swait.ge [sflag:s1], $0x10000  }
0xdc: {  	[sflag:s1] =	ssyncset.done $0x0  }
0xdd: {  	s2 =	simm.s32 $0x3;
	[sflag:s1] =	ssyncadd.s32 $0xFFFF0000  }
0xde: {  	p0 =	sne.s32 s8, $0x1;
	_ =	swait.ge [sflag:s2], $0x2000  }
.Ltmp0:
0xdf: {  	[sflag:s2] =	ssyncset.done $0x0;
	(pc) =	sbr.rel @p0 .LBB2_1-.Ltmp0, $4  }
0xe0: {  	s28 =	simm.s32 $0x4;
	[sflag:s2] =	ssyncadd.s32 $0xFFFFE000  }
0xe1: {  	_ =	swait.ge [sflag:s28], $0x2000  }
0xe2: {  	[sflag:s28] =	ssyncset.done $0x0  }
0xe3: {  	s8 =	sadd.s32 $0xFFFFFFFF, s8;
	[sflag:s28] =	ssyncadd.s32 $0xFFFFE000  }
0xe4: {  	_ =	sfence.sel $0x180000  }
0xe5: {  	[bflag:$0x0] =	sbarrier.arrive $0xFFFF  }
0xe6: {  	_ =	strace $0x90000047  }
0xe7: {  	s0 =	stileid.u32;
	[bflag:$0x2] =	sbarrier.arrive $0xFFFF  }
0xe8: {  	p0 =	sne.s32 s0, $0x0;
	s0 =	rddreg [dreg:$0x3]  }
0xe9: {  	s0 =	sadd.s32 @!p0 $0x100000, s0  }
0xea: {  	[sflag:s0] =	ssyncadd.tile.s32 @!p0 $0x1;
	_ =	shalt  }
.Lfunc_end2:
_tile_overlayer_lowered:
.L_overlay_start_2:
0xeb: {  	(tag) =	ssettag $0x2  }
0xec: {  	s0 =	rddreg [dreg:$0x0];
	s2 =	stileid.u32  }
0xed: {  	s1 =	rddreg [dreg:$0x1];
	p0 =	sne.s32 s2, $0x0  }
0xee: {  	s3 =	rddreg [dreg:$0x2];
	[bflag:$0x3] =	sbarrier.arrive $0xFFFF;
	s2 =	simm.s32 @!p0 $0x1C05  }
0xef: {  	[timem:s3], [sflag:s2] =	dma.local @!p0 [hbm:s0], s1  }
0xf0: {  	s0 =	simm.s32 @!p0 $0x5  }
0xf1: {  	_ =	swait.ge @!p0 [sflag:s0], s1  }
0xf2: {  	s1 =	ssub.s32 @!p0 $0x0, s1;
	[sflag:s0] =	ssyncset.done @!p0 $0x0  }
0xf3: {  	[sflag:s0] =	ssyncadd.s32 @!p0 s1  }
0xf4: {  	[bflag:$0x3] =	sbarrier.arrive $0xFFFF  }
0xf5: {  	_ =	shalt  }

</sc_bundles>
